<compile_context>
chip_gen: v7x
topology: tpu7x:2x2x1
jax: 0.10.2.dev20260603
libtpu: 0.0.44.dev20260713+nightly
codegen_flags: <defaults>
</compile_context>

<pallas_src>
import functools

import jax
import jax.numpy as jnp
from jax import lax
from jax.experimental import pallas as pl
from jax.experimental.pallas import tpu as pltpu
from jax.experimental.pallas import tpu_sc as plsc

NUM_GROUPS = 64
LANES = 16
NC = 2
NS = 16
NW = NC * NS


def _sort16_asc(v):
    return jnp.sort(v)


def _sort16_desc(v):
    return -jnp.sort(-v)


def _merge_asc(u, v):
    lo = jnp.minimum(u, v)
    hi = jnp.maximum(u, v)
    return _sort16_asc(lo), _sort16_asc(hi)


def _merge_desc(u, v):
    lo = jnp.minimum(u, v)
    hi = jnp.maximum(u, v)
    return _sort16_desc(hi), _sort16_desc(lo)


def _sort64(a0, a1, a2, a3):
    s0 = _sort16_asc(a0)
    s1 = _sort16_desc(a1)
    s2 = _sort16_asc(a2)
    s3 = _sort16_desc(a3)
    x0, x1 = _merge_asc(s0, s1)
    y0, y1 = _merge_desc(s2, s3)
    l0 = jnp.minimum(x0, y0)
    l1 = jnp.minimum(x1, y1)
    h0 = jnp.maximum(x0, y0)
    h1 = jnp.maximum(x1, y1)
    p0 = jnp.minimum(l0, l1)
    p1 = jnp.maximum(l0, l1)
    p2 = jnp.minimum(h0, h1)
    p3 = jnp.maximum(h0, h1)
    return (_sort16_asc(p0), _sort16_asc(p1),
            _sort16_asc(p2), _sort16_asc(p3))


def _make_sc_call(xrows, xcols):
    nblocks = xrows // 8
    blocks_per_worker = nblocks // NW
    assert blocks_per_worker % 2 == 0
    npairs = blocks_per_worker // 2
    groups_per_block = 8 * (xcols // 64)
    half = groups_per_block // 2
    mesh = plsc.VectorSubcoreMesh(core_axis_name="c", subcore_axis_name="s")
    buf_t = pltpu.VMEM((8, xcols), jnp.float32)

    @functools.partial(
        pl.kernel,
        mesh=mesh,
        out_type=jax.ShapeDtypeStruct((xrows, xcols), jnp.float32),
        scratch_types=[
            buf_t, buf_t,
            pltpu.SemaphoreType.DMA, pltpu.SemaphoreType.DMA,
            pltpu.SemaphoreType.DMA, pltpu.SemaphoreType.DMA,
        ],
        compiler_params=pltpu.CompilerParams(
            needs_layout_passes=False, use_tc_tiling_on_sc=True,
            disable_bounds_checks=True),
    )
    def sc_sort(x_hbm, out_hbm, b0, b1, gs0, gs1, ss0, ss1):
        wid = lax.axis_index("c") * NS + lax.axis_index("s")
        base = wid * blocks_per_worker

        def compute(buf, lo, hi):
            @plsc.parallel_loop(lo, hi, unroll=4)
            def group_body(g):
                rr = g >> 6
                cb = (g & 63) * 64
                a0 = buf[rr, pl.ds(cb, 16)]
                a1 = buf[rr, pl.ds(cb + 16, 16)]
                a2 = buf[rr, pl.ds(cb + 32, 16)]
                a3 = buf[rr, pl.ds(cb + 48, 16)]
                r0, r1, r2, r3 = _sort64(a0, a1, a2, a3)
                buf[rr, pl.ds(cb, 16)] = r0
                buf[rr, pl.ds(cb + 16, 16)] = r1
                buf[rr, pl.ds(cb + 32, 16)] = r2
                buf[rr, pl.ds(cb + 48, 16)] = r3

        def hbm_blk(ref, blk):
            return ref.at[pl.ds(blk * 8, 8)]

        pltpu.async_copy(hbm_blk(x_hbm, base), b0, gs0)

        def pair_body(k, carry):
            blk_a = base + 2 * k
            pltpu.make_async_copy(hbm_blk(x_hbm, blk_a), b0, gs0).wait()
            compute(b0, 0, half)

            @pl.when(k >= 1)
            def _():
                pltpu.make_async_copy(
                    b1, hbm_blk(out_hbm, blk_a - 1), ss1).wait()

            pltpu.async_copy(hbm_blk(x_hbm, blk_a + 1), b1, gs1)
            compute(b0, half, groups_per_block)
            pltpu.async_copy(b0, hbm_blk(out_hbm, blk_a), ss0)

            blk_b = blk_a + 1
            pltpu.make_async_copy(hbm_blk(x_hbm, blk_b), b1, gs1).wait()
            compute(b1, 0, half)
            pltpu.make_async_copy(b0, hbm_blk(out_hbm, blk_a), ss0).wait()

            @pl.when(k < npairs - 1)
            def _():
                pltpu.async_copy(hbm_blk(x_hbm, blk_b + 1), b0, gs0)

            compute(b1, half, groups_per_block)
            pltpu.async_copy(b1, hbm_blk(out_hbm, blk_b), ss1)
            return carry

        lax.fori_loop(0, npairs, pair_body, 0)
        last = base + blocks_per_worker - 1
        pltpu.make_async_copy(b1, hbm_blk(out_hbm, last), ss1).wait()

    return sc_sort


def kernel(x):
    shape = x.shape
    xcols = shape[-1]
    xrows = x.size // xcols
    x2 = x.reshape(xrows, xcols)
    y2 = _make_sc_call(xrows, xcols)(x2)
    return y2.reshape(shape)

# --- scband reference (transcript-rebuilt; emitter-appended) ---
"""Pipeline reference for scband-group-sort-51024211476607 (READ-ONLY COPY).

The authoritative reference and input builder live on the scoring server;
editing this copy changes nothing except your own understanding.
"""

import jax, jax.numpy as jnp
import numpy as np

NUM_GROUPS = 64


def setup_inputs(seed: int = 0) -> dict:
    key = jax.random.key(seed)
    x = jax.random.normal(key, (2, 4096, 4096), dtype=jnp.float32)
    return {"x": x}


def reference(x):
    # GroupSort along axis=-1 with num_groups groups.
    shape = x.shape
    num_features = shape[-1]
    group_size = num_features // NUM_GROUPS
    grouped = x.reshape(shape[:-1] + (NUM_GROUPS, group_size))
    sorted_grouped = jnp.sort(grouped, axis=-1)
    return sorted_grouped.reshape(shape)

if __name__ == "__main__":
    import jax
    _d = setup_inputs()
    print(jax.jit(kernel)(*tuple(_d.values())))

</pallas_src>

<mosaic_0001>
#map = affine_map<(d0, d1) -> (0, 0)>
module attributes {stable_mosaic.version = 14 : i64} {
  func.func @sc_sort(%arg0: i32, %arg1: i32, %arg2: memref<8192x4096xf32, #tpu.memory_space<hbm>>, %arg3: memref<8192x4096xf32, #tpu.memory_space<hbm>>, %arg4: memref<8x4096xf32, #tpu.memory_space<vmem>>, %arg5: memref<8x4096xf32, #tpu.memory_space<vmem>>, %arg6: memref<!tpu.dma_semaphore, #tpu.memory_space<semaphore_mem>>, %arg7: memref<!tpu.dma_semaphore, #tpu.memory_space<semaphore_mem>>, %arg8: memref<!tpu.dma_semaphore, #tpu.memory_space<semaphore_mem>>, %arg9: memref<!tpu.dma_semaphore, #tpu.memory_space<semaphore_mem>>) attributes {dimension_semantics = [#tpu.dimension_semantics<core_parallel>, #tpu.dimension_semantics<subcore_parallel>], iteration_bounds = array<i64: 2, 16>, scalar_prefetch = 0 : i64, scratch_operands = 6 : i64, tpu.core_type = #tpu.core_type<sc_vector_subcore>, window_params = [{transform_indices = #map}, {transform_indices = #map}]} {
    %mul3A = arith.constant 16 : i32
    %mul3A_0 = arith.muli %arg0, %mul3A : i32
    %add3A = arith.addi %mul3A_0, %arg1 : i32
    %mul3A_1 = arith.constant 32 : i32
    %mul3A_2 = arith.muli %add3A, %mul3A_1 : i32
    %mul3A_3 = arith.constant 8 : i32
    %mul3A_4 = arith.muli %mul3A_2, %mul3A_3 : i32
    %dma_start3A = arith.constant 0 : i32
    %dma_start3A_5 = tpu.memref_slice %arg2[%mul3A_4, %dma_start3A] : memref<8192x4096xf32, #tpu.memory_space<hbm>> -> memref<8x4096xf32, #tpu.memory_space<hbm>>
    %dma_start3A_6 = arith.constant 0 : i32
    %dma_start3A_7 = tpu.memref_slice %arg2[%mul3A_4, %dma_start3A_6] : memref<8192x4096xf32, #tpu.memory_space<hbm>> -> memref<8x4096xf32, #tpu.memory_space<hbm>>
    tpu.enqueue_dma source(%dma_start3A_7 : memref<8x4096xf32, #tpu.memory_space<hbm>>) target(%arg4 : memref<8x4096xf32, #tpu.memory_space<vmem>>) target_semaphore(%arg6 : memref<!tpu.dma_semaphore, #tpu.memory_space<semaphore_mem>>)
    %scan3A = arith.constant 0 : i32
    %scan3A_8 = arith.constant 0 : i32
    %scan3A_9 = arith.constant 16 : i32
    %scan3A_10 = arith.addi %scan3A_8, %scan3A_9 : i32
    %scan3A_11 = arith.constant 1 : i32
    scf.for %scan3A_21 = %scan3A_8 to %scan3A_10 step %scan3A_11  : i32 {
      %mul3A_22 = arith.constant 2 : i32
      %mul3A_23 = arith.muli %mul3A_22, %scan3A_21 : i32
      %add3A_24 = arith.addi %mul3A_2, %mul3A_23 : i32
      %mul3A_25 = arith.constant 8 : i32
      %mul3A_26 = arith.muli %add3A_24, %mul3A_25 : i32
      %dma_wait3A_27 = arith.constant 0 : i32
      %dma_wait3A_28 = tpu.memref_slice %arg2[%mul3A_26, %dma_wait3A_27] : memref<8192x4096xf32, #tpu.memory_space<hbm>> -> memref<8x4096xf32, #tpu.memory_space<hbm>>
      %dma_wait3A_29 = arith.constant 0 : i32
      %dma_wait3A_30 = tpu.memref_slice %arg2[%mul3A_26, %dma_wait3A_29] : memref<8192x4096xf32, #tpu.memory_space<hbm>> -> memref<8x4096xf32, #tpu.memory_space<hbm>>
      tpu.wait_dma2 semaphore(%arg6 : memref<!tpu.dma_semaphore, #tpu.memory_space<semaphore_mem>>) src(%dma_wait3A_30 : memref<8x4096xf32, #tpu.memory_space<hbm>>) dst(%arg4 : memref<8x4096xf32, #tpu.memory_space<vmem>>)
      %parallel_loop3A = arith.constant 0 : i32
      %parallel_loop3A_31 = arith.constant 256 : i32
      %parallel_loop3A_32 = arith.constant 1 : i32
      scf.for %parallel_loop3A_82 = %parallel_loop3A to %parallel_loop3A_31 step %parallel_loop3A_32  : i32 {
        %parallel_loop3A_83 = arith.constant 6 : i32
        %parallel_loop3A_84 = arith.shrsi %parallel_loop3A_82, %parallel_loop3A_83 : i32
        %parallel_loop3A_85 = arith.constant 63 : i32
        %parallel_loop3A_86 = arith.andi %parallel_loop3A_82, %parallel_loop3A_85 : i32
        %parallel_loop3A_87 = arith.constant 64 : i32
        %parallel_loop3A_88 = arith.muli %parallel_loop3A_86, %parallel_loop3A_87 : i32
        %parallel_loop3A_89 = arith.index_cast %parallel_loop3A_84 : i32 to index
        %parallel_loop3A_90 = arith.index_cast %parallel_loop3A_88 : i32 to index
        %parallel_loop3A_91 = tpu.vector_load %arg4[%parallel_loop3A_89, %parallel_loop3A_90] {strides = array<i32>} : memref<8x4096xf32, #tpu.memory_space<vmem>>, vector<16xf32>,
        %parallel_loop3A_92 = arith.constant 16 : i32
        %parallel_loop3A_93 = arith.addi %parallel_loop3A_88, %parallel_loop3A_92 : i32
        %parallel_loop3A_94 = arith.index_cast %parallel_loop3A_84 : i32 to index
        %parallel_loop3A_95 = arith.index_cast %parallel_loop3A_93 : i32 to index
        %parallel_loop3A_96 = tpu.vector_load %arg4[%parallel_loop3A_94, %parallel_loop3A_95] {strides = array<i32>} : memref<8x4096xf32, #tpu.memory_space<vmem>>, vector<16xf32>,
        %parallel_loop3A_97 = arith.constant 32 : i32
        %parallel_loop3A_98 = arith.addi %parallel_loop3A_88, %parallel_loop3A_97 : i32
        %parallel_loop3A_99 = arith.index_cast %parallel_loop3A_84 : i32 to index
        %parallel_loop3A_100 = arith.index_cast %parallel_loop3A_98 : i32 to index
        %parallel_loop3A_101 = tpu.vector_load %arg4[%parallel_loop3A_99, %parallel_loop3A_100] {strides = array<i32>} : memref<8x4096xf32, #tpu.memory_space<vmem>>, vector<16xf32>,
        %parallel_loop3A_102 = arith.constant 48 : i32
        %parallel_loop3A_103 = arith.addi %parallel_loop3A_88, %parallel_loop3A_102 : i32
        %parallel_loop3A_104 = arith.index_cast %parallel_loop3A_84 : i32 to index
        %parallel_loop3A_105 = arith.index_cast %parallel_loop3A_103 : i32 to index
        %parallel_loop3A_106 = tpu.vector_load %arg4[%parallel_loop3A_104, %parallel_loop3A_105] {strides = array<i32>} : memref<8x4096xf32, #tpu.memory_space<vmem>>, vector<16xf32>,
        %parallel_loop3A_107 = arith.constant dense<true> : vector<16xi1>
        %parallel_loop3A_108, %parallel_loop3A_109, %parallel_loop3A_110 = tpu.sort %parallel_loop3A_91, %parallel_loop3A_91 masked %parallel_loop3A_107 : (vector<16xf32>, vector<16xf32>, vector<16xi1>) -> (vector<16xi1>, vector<16xf32>, vector<16xf32>)
        %parallel_loop3A_111 = arith.constant 0.000000e+00 : f32
        %parallel_loop3A_112 = vector.broadcast %parallel_loop3A_111 : f32 to vector<16xf32>
        %parallel_loop3A_113 = arith.subf %parallel_loop3A_112, %parallel_loop3A_96 : vector<16xf32>
        %parallel_loop3A_114 = arith.constant dense<true> : vector<16xi1>
        %parallel_loop3A_115, %parallel_loop3A_116, %parallel_loop3A_117 = tpu.sort %parallel_loop3A_113, %parallel_loop3A_113 masked %parallel_loop3A_114 : (vector<16xf32>, vector<16xf32>, vector<16xi1>) -> (vector<16xi1>, vector<16xf32>, vector<16xf32>)
        %parallel_loop3A_118 = arith.constant 0.000000e+00 : f32
        %parallel_loop3A_119 = vector.broadcast %parallel_loop3A_118 : f32 to vector<16xf32>
        %parallel_loop3A_120 = arith.subf %parallel_loop3A_119, %parallel_loop3A_116 : vector<16xf32>
        %parallel_loop3A_121 = arith.constant dense<true> : vector<16xi1>
        %parallel_loop3A_122, %parallel_loop3A_123, %parallel_loop3A_124 = tpu.sort %parallel_loop3A_101, %parallel_loop3A_101 masked %parallel_loop3A_121 : (vector<16xf32>, vector<16xf32>, vector<16xi1>) -> (vector<16xi1>, vector<16xf32>, vector<16xf32>)
        %parallel_loop3A_125 = arith.constant 0.000000e+00 : f32
        %parallel_loop3A_126 = vector.broadcast %parallel_loop3A_125 : f32 to vector<16xf32>
        %parallel_loop3A_127 = arith.subf %parallel_loop3A_126, %parallel_loop3A_106 : vector<16xf32>
        %parallel_loop3A_128 = arith.constant dense<true> : vector<16xi1>
        %parallel_loop3A_129, %parallel_loop3A_130, %parallel_loop3A_131 = tpu.sort %parallel_loop3A_127, %parallel_loop3A_127 masked %parallel_loop3A_128 : (vector<16xf32>, vector<16xf32>, vector<16xi1>) -> (vector<16xi1>, vector<16xf32>, vector<16xf32>)
        %parallel_loop3A_132 = arith.constant 0.000000e+00 : f32
        %parallel_loop3A_133 = vector.broadcast %parallel_loop3A_132 : f32 to vector<16xf32>
        %parallel_loop3A_134 = arith.subf %parallel_loop3A_133, %parallel_loop3A_130 : vector<16xf32>
        %parallel_loop3A_135 = arith.minimumf %parallel_loop3A_109, %parallel_loop3A_120 : vector<16xf32>
        %parallel_loop3A_136 = arith.maximumf %parallel_loop3A_109, %parallel_loop3A_120 : vector<16xf32>
        %parallel_loop3A_137 = arith.constant dense<true> : vector<16xi1>
        %parallel_loop3A_138, %parallel_loop3A_139, %parallel_loop3A_140 = tpu.sort %parallel_loop3A_135, %parallel_loop3A_135 masked %parallel_loop3A_137 : (vector<16xf32>, vector<16xf32>, vector<16xi1>) -> (vector<16xi1>, vector<16xf32>, vector<16xf32>)
        %parallel_loop3A_141 = arith.constant dense<true> : vector<16xi1>
        %parallel_loop3A_142, %parallel_loop3A_143, %parallel_loop3A_144 = tpu.sort %parallel_loop3A_136, %parallel_loop3A_136 masked %parallel_loop3A_141 : (vector<16xf32>, vector<16xf32>, vector<16xi1>) -> (vector<16xi1>, vector<16xf32>, vector<16xf32>)
        %parallel_loop3A_145 = arith.minimumf %parallel_loop3A_123, %parallel_loop3A_134 : vector<16xf32>
        %parallel_loop3A_146 = arith.maximumf %parallel_loop3A_123, %parallel_loop3A_134 : vector<16xf32>
        %parallel_loop3A_147 = arith.constant 0.000000e+00 : f32
        %parallel_loop3A_148 = vector.broadcast %parallel_loop3A_147 : f32 to vector<16xf32>
        %parallel_loop3A_149 = arith.subf %parallel_loop3A_148, %parallel_loop3A_146 : vector<16xf32>
        %parallel_loop3A_150 = arith.constant dense<true> : vector<16xi1>
        %parallel_loop3A_151, %parallel_loop3A_152, %parallel_loop3A_153 = tpu.sort %parallel_loop3A_149, %parallel_loop3A_149 masked %parallel_loop3A_150 : (vector<16xf32>, vector<16xf32>, vector<16xi1>) -> (vector<16xi1>, vector<16xf32>, vector<16xf32>)
        %parallel_loop3A_154 = arith.constant 0.000000e+00 : f32
        %parallel_loop3A_155 = vector.broadcast %parallel_loop3A_154 : f32 to vector<16xf32>
        %parallel_loop3A_156 = arith.subf %parallel_loop3A_155, %parallel_loop3A_152 : vector<16xf32>
        %parallel_loop3A_157 = arith.constant 0.000000e+00 : f32
        %parallel_loop3A_158 = vector.broadcast %parallel_loop3A_157 : f32 to vector<16xf32>
        %parallel_loop3A_159 = arith.subf %parallel_loop3A_158, %parallel_loop3A_145 : vector<16xf32>
        %parallel_loop3A_160 = arith.constant dense<true> : vector<16xi1>
        %parallel_loop3A_161, %parallel_loop3A_162, %parallel_loop3A_163 = tpu.sort %parallel_loop3A_159, %parallel_loop3A_159 masked %parallel_loop3A_160 : (vector<16xf32>, vector<16xf32>, vector<16xi1>) -> (vector<16xi1>, vector<16xf32>, vector<16xf32>)
        %parallel_loop3A_164 = arith.constant 0.000000e+00 : f32
        %parallel_loop3A_165 = vector.broadcast %parallel_loop3A_164 : f32 to vector<16xf32>
        %parallel_loop3A_166 = arith.subf %parallel_loop3A_165, %parallel_loop3A_162 : vector<16xf32>
        %parallel_loop3A_167 = arith.minimumf %parallel_loop3A_139, %parallel_loop3A_156 : vector<16xf32>
        %parallel_loop3A_168 = arith.minimumf %parallel_loop3A_143, %parallel_loop3A_166 : vector<16xf32>
        %parallel_loop3A_169 = arith.maximumf %parallel_loop3A_139, %parallel_loop3A_156 : vector<16xf32>
        %parallel_loop3A_170 = arith.maximumf %parallel_loop3A_143, %parallel_loop3A_166 : vector<16xf32>
        %parallel_loop3A_171 = arith.minimumf %parallel_loop3A_167, %parallel_loop3A_168 : vector<16xf32>
        %parallel_loop3A_172 = arith.maximumf %parallel_loop3A_167, %parallel_loop3A_168 : vector<16xf32>
        %parallel_loop3A_173 = arith.minimumf %parallel_loop3A_169, %parallel_loop3A_170 : vector<16xf32>
        %parallel_loop3A_174 = arith.maximumf %parallel_loop3A_169, %parallel_loop3A_170 : vector<16xf32>
        %parallel_loop3A_175 = arith.constant dense<true> : vector<16xi1>
        %parallel_loop3A_176, %parallel_loop3A_177, %parallel_loop3A_178 = tpu.sort %parallel_loop3A_171, %parallel_loop3A_171 masked %parallel_loop3A_175 : (vector<16xf32>, vector<16xf32>, vector<16xi1>) -> (vector<16xi1>, vector<16xf32>, vector<16xf32>)
        %parallel_loop3A_179 = arith.constant dense<true> : vector<16xi1>
        %parallel_loop3A_180, %parallel_loop3A_181, %parallel_loop3A_182 = tpu.sort %parallel_loop3A_172, %parallel_loop3A_172 masked %parallel_loop3A_179 : (vector<16xf32>, vector<16xf32>, vector<16xi1>) -> (vector<16xi1>, vector<16xf32>, vector<16xf32>)
        %parallel_loop3A_183 = arith.constant dense<true> : vector<16xi1>
        %parallel_loop3A_184, %parallel_loop3A_185, %parallel_loop3A_186 = tpu.sort %parallel_loop3A_173, %parallel_loop3A_173 masked %parallel_loop3A_183 : (vector<16xf32>, vector<16xf32>, vector<16xi1>) -> (vector<16xi1>, vector<16xf32>, vector<16xf32>)
        %parallel_loop3A_187 = arith.constant dense<true> : vector<16xi1>
        %parallel_loop3A_188, %parallel_loop3A_189, %parallel_loop3A_190 = tpu.sort %parallel_loop3A_174, %parallel_loop3A_174 masked %parallel_loop3A_187 : (vector<16xf32>, vector<16xf32>, vector<16xi1>) -> (vector<16xi1>, vector<16xf32>, vector<16xf32>)
        %parallel_loop3A_191 = arith.index_cast %parallel_loop3A_84 : i32 to index
        %parallel_loop3A_192 = arith.index_cast %parallel_loop3A_88 : i32 to index
        %parallel_loop3A_193 = tpu.vector_load %arg4[%parallel_loop3A_191, %parallel_loop3A_192] {strides = array<i32>} : memref<8x4096xf32, #tpu.memory_space<vmem>>, vector<16xf32>,
        tpu.vector_store %arg4[%parallel_loop3A_191, %parallel_loop3A_192], %parallel_loop3A_177 {strides = array<i32>} : memref<8x4096xf32, #tpu.memory_space<vmem>>, vector<16xf32>,
        %parallel_loop3A_194 = arith.constant 16 : i32
        %parallel_loop3A_195 = arith.addi %parallel_loop3A_88, %parallel_loop3A_194 : i32
        %parallel_loop3A_196 = arith.index_cast %parallel_loop3A_84 : i32 to index
        %parallel_loop3A_197 = arith.index_cast %parallel_loop3A_195 : i32 to index
        %parallel_loop3A_198 = tpu.vector_load %arg4[%parallel_loop3A_196, %parallel_loop3A_197] {strides = array<i32>} : memref<8x4096xf32, #tpu.memory_space<vmem>>, vector<16xf32>,
        tpu.vector_store %arg4[%parallel_loop3A_196, %parallel_loop3A_197], %parallel_loop3A_181 {strides = array<i32>} : memref<8x4096xf32, #tpu.memory_space<vmem>>, vector<16xf32>,
        %parallel_loop3A_199 = arith.constant 32 : i32
        %parallel_loop3A_200 = arith.addi %parallel_loop3A_88, %parallel_loop3A_199 : i32
        %parallel_loop3A_201 = arith.index_cast %parallel_loop3A_84 : i32 to index
        %parallel_loop3A_202 = arith.index_cast %parallel_loop3A_200 : i32 to index
        %parallel_loop3A_203 = tpu.vector_load %arg4[%parallel_loop3A_201, %parallel_loop3A_202] {strides = array<i32>} : memref<8x4096xf32, #tpu.memory_space<vmem>>, vector<16xf32>,
        tpu.vector_store %arg4[%parallel_loop3A_201, %parallel_loop3A_202], %parallel_loop3A_185 {strides = array<i32>} : memref<8x4096xf32, #tpu.memory_space<vmem>>, vector<16xf32>,
        %parallel_loop3A_204 = arith.constant 48 : i32
        %parallel_loop3A_205 = arith.addi %parallel_loop3A_88, %parallel_loop3A_204 : i32
        %parallel_loop3A_206 = arith.index_cast %parallel_loop3A_84 : i32 to index
        %parallel_loop3A_207 = arith.index_cast %parallel_loop3A_205 : i32 to index
        %parallel_loop3A_208 = tpu.vector_load %arg4[%parallel_loop3A_206, %parallel_loop3A_207] {strides = array<i32>} : memref<8x4096xf32, #tpu.memory_space<vmem>>, vector<16xf32>,
        tpu.vector_store %arg4[%parallel_loop3A_206, %parallel_loop3A_207], %parallel_loop3A_189 {strides = array<i32>} : memref<8x4096xf32, #tpu.memory_space<vmem>>, vector<16xf32>,
      } {sc.loop_unroll_factor = 4 : i64, sc.parallel_access}
      %ge3A = arith.constant 1 : i32
      %ge3A_33 = arith.cmpi sge, %scan3A_21, %ge3A : i32
      %convert_element_type3A = arith.extui %ge3A_33 : i1 to i32
      %cond3A = arith.constant 0 : i32
      %cond3A_34 = arith.cmpi ne, %convert_element_type3A, %cond3A : i32
      scf.if %cond3A_34 {
        %sub3A_82 = arith.constant 1 : i32
        %sub3A_83 = arith.subi %add3A_24, %sub3A_82 : i32
        %mul3A_84 = arith.constant 8 : i32
        %mul3A_85 = arith.muli %sub3A_83, %mul3A_84 : i32
        %dma_wait3A_86 = arith.constant 0 : i32
        %dma_wait3A_87 = tpu.memref_slice %arg3[%mul3A_85, %dma_wait3A_86] : memref<8192x4096xf32, #tpu.memory_space<hbm>> -> memref<8x4096xf32, #tpu.memory_space<hbm>>
        %dma_wait3A_88 = arith.constant 0 : i32
        %dma_wait3A_89 = tpu.memref_slice %arg3[%mul3A_85, %dma_wait3A_88] : memref<8192x4096xf32, #tpu.memory_space<hbm>> -> memref<8x4096xf32, #tpu.memory_space<hbm>>
        tpu.wait_dma2 semaphore(%arg9 : memref<!tpu.dma_semaphore, #tpu.memory_space<semaphore_mem>>) src(%arg5 : memref<8x4096xf32, #tpu.memory_space<vmem>>) dst(%dma_wait3A_89 : memref<8x4096xf32, #tpu.memory_space<hbm>>)
      } else {
      }
      %add3A_35 = arith.constant 1 : i32
      %add3A_36 = arith.addi %add3A_24, %add3A_35 : i32
      %mul3A_37 = arith.constant 8 : i32
      %mul3A_38 = arith.muli %add3A_36, %mul3A_37 : i32
      %dma_start3A_39 = arith.constant 0 : i32
      %dma_start3A_40 = tpu.memref_slice %arg2[%mul3A_38, %dma_start3A_39] : memref<8192x4096xf32, #tpu.memory_space<hbm>> -> memref<8x4096xf32, #tpu.memory_space<hbm>>
      %dma_start3A_41 = arith.constant 0 : i32
      %dma_start3A_42 = tpu.memref_slice %arg2[%mul3A_38, %dma_start3A_41] : memref<8192x4096xf32, #tpu.memory_space<hbm>> -> memref<8x4096xf32, #tpu.memory_space<hbm>>
      tpu.enqueue_dma source(%dma_start3A_42 : memref<8x4096xf32, #tpu.memory_space<hbm>>) target(%arg5 : memref<8x4096xf32, #tpu.memory_space<vmem>>) target_semaphore(%arg7 : memref<!tpu.dma_semaphore, #tpu.memory_space<semaphore_mem>>)
      %parallel_loop3A_43 = arith.constant 256 : i32
      %parallel_loop3A_44 = arith.constant 512 : i32
      %parallel_loop3A_45 = arith.constant 1 : i32
      scf.for %parallel_loop3A_82 = %parallel_loop3A_43 to %parallel_loop3A_44 step %parallel_loop3A_45  : i32 {
        %parallel_loop3A_83 = arith.constant 6 : i32
        %parallel_loop3A_84 = arith.shrsi %parallel_loop3A_82, %parallel_loop3A_83 : i32
        %parallel_loop3A_85 = arith.constant 63 : i32
        %parallel_loop3A_86 = arith.andi %parallel_loop3A_82, %parallel_loop3A_85 : i32
        %parallel_loop3A_87 = arith.constant 64 : i32
        %parallel_loop3A_88 = arith.muli %parallel_loop3A_86, %parallel_loop3A_87 : i32
        %parallel_loop3A_89 = arith.index_cast %parallel_loop3A_84 : i32 to index
        %parallel_loop3A_90 = arith.index_cast %parallel_loop3A_88 : i32 to index
        %parallel_loop3A_91 = tpu.vector_load %arg4[%parallel_loop3A_89, %parallel_loop3A_90] {strides = array<i32>} : memref<8x4096xf32, #tpu.memory_space<vmem>>, vector<16xf32>,
        %parallel_loop3A_92 = arith.constant 16 : i32
        %parallel_loop3A_93 = arith.addi %parallel_loop3A_88, %parallel_loop3A_92 : i32
        %parallel_loop3A_94 = arith.index_cast %parallel_loop3A_84 : i32 to index
        %parallel_loop3A_95 = arith.index_cast %parallel_loop3A_93 : i32 to index
        %parallel_loop3A_96 = tpu.vector_load %arg4[%parallel_loop3A_94, %parallel_loop3A_95] {strides = array<i32>} : memref<8x4096xf32, #tpu.memory_space<vmem>>, vector<16xf32>,
        %parallel_loop3A_97 = arith.constant 32 : i32
        %parallel_loop3A_98 = arith.addi %parallel_loop3A_88, %parallel_loop3A_97 : i32
        %parallel_loop3A_99 = arith.index_cast %parallel_loop3A_84 : i32 to index
        %parallel_loop3A_100 = arith.index_cast %parallel_loop3A_98 : i32 to index
        %parallel_loop3A_101 = tpu.vector_load %arg4[%parallel_loop3A_99, %parallel_loop3A_100] {strides = array<i32>} : memref<8x4096xf32, #tpu.memory_space<vmem>>, vector<16xf32>,
        %parallel_loop3A_102 = arith.constant 48 : i32
        %parallel_loop3A_103 = arith.addi %parallel_loop3A_88, %parallel_loop3A_102 : i32
        %parallel_loop3A_104 = arith.index_cast %parallel_loop3A_84 : i32 to index
        %parallel_loop3A_105 = arith.index_cast %parallel_loop3A_103 : i32 to index
        %parallel_loop3A_106 = tpu.vector_load %arg4[%parallel_loop3A_104, %parallel_loop3A_105] {strides = array<i32>} : memref<8x4096xf32, #tpu.memory_space<vmem>>, vector<16xf32>,
        %parallel_loop3A_107 = arith.constant dense<true> : vector<16xi1>
        %parallel_loop3A_108, %parallel_loop3A_109, %parallel_loop3A_110 = tpu.sort %parallel_loop3A_91, %parallel_loop3A_91 masked %parallel_loop3A_107 : (vector<16xf32>, vector<16xf32>, vector<16xi1>) -> (vector<16xi1>, vector<16xf32>, vector<16xf32>)
        %parallel_loop3A_111 = arith.constant 0.000000e+00 : f32
        %parallel_loop3A_112 = vector.broadcast %parallel_loop3A_111 : f32 to vector<16xf32>
        %parallel_loop3A_113 = arith.subf %parallel_loop3A_112, %parallel_loop3A_96 : vector<16xf32>
        %parallel_loop3A_114 = arith.constant dense<true> : vector<16xi1>
        %parallel_loop3A_115, %parallel_loop3A_116, %parallel_loop3A_117 = tpu.sort %parallel_loop3A_113, %parallel_loop3A_113 masked %parallel_loop3A_114 : (vector<16xf32>, vector<16xf32>, vector<16xi1>) -> (vector<16xi1>, vector<16xf32>, vector<16xf32>)
        %parallel_loop3A_118 = arith.constant 0.000000e+00 : f32
        %parallel_loop3A_119 = vector.broadcast %parallel_loop3A_118 : f32 to vector<16xf32>
        %parallel_loop3A_120 = arith.subf %parallel_loop3A_119, %parallel_loop3A_116 : vector<16xf32>
        %parallel_loop3A_121 = arith.constant dense<true> : vector<16xi1>
        %parallel_loop3A_122, %parallel_loop3A_123, %parallel_loop3A_124 = tpu.sort %parallel_loop3A_101, %parallel_loop3A_101 masked %parallel_loop3A_121 : (vector<16xf32>, vector<16xf32>, vector<16xi1>) -> (vector<16xi1>, vector<16xf32>, vector<16xf32>)
        %parallel_loop3A_125 = arith.constant 0.000000e+00 : f32
        %parallel_loop3A_126 = vector.broadcast %parallel_loop3A_125 : f32 to vector<16xf32>
        %parallel_loop3A_127 = arith.subf %parallel_loop3A_126, %parallel_loop3A_106 : vector<16xf32>
        %parallel_loop3A_128 = arith.constant dense<true> : vector<16xi1>
        %parallel_loop3A_129, %parallel_loop3A_130, %parallel_loop3A_131 = tpu.sort %parallel_loop3A_127, %parallel_loop3A_127 masked %parallel_loop3A_128 : (vector<16xf32>, vector<16xf32>, vector<16xi1>) -> (vector<16xi1>, vector<16xf32>, vector<16xf32>)
        %parallel_loop3A_132 = arith.constant 0.000000e+00 : f32
        %parallel_loop3A_133 = vector.broadcast %parallel_loop3A_132 : f32 to vector<16xf32>
        %parallel_loop3A_134 = arith.subf %parallel_loop3A_133, %parallel_loop3A_130 : vector<16xf32>
        %parallel_loop3A_135 = arith.minimumf %parallel_loop3A_109, %parallel_loop3A_120 : vector<16xf32>
        %parallel_loop3A_136 = arith.maximumf %parallel_loop3A_109, %parallel_loop3A_120 : vector<16xf32>
        %parallel_loop3A_137 = arith.constant dense<true> : vector<16xi1>
        %parallel_loop3A_138, %parallel_loop3A_139, %parallel_loop3A_140 = tpu.sort %parallel_loop3A_135, %parallel_loop3A_135 masked %parallel_loop3A_137 : (vector<16xf32>, vector<16xf32>, vector<16xi1>) -> (vector<16xi1>, vector<16xf32>, vector<16xf32>)
        %parallel_loop3A_141 = arith.constant dense<true> : vector<16xi1>
        %parallel_loop3A_142, %parallel_loop3A_143, %parallel_loop3A_144 = tpu.sort %parallel_loop3A_136, %parallel_loop3A_136 masked %parallel_loop3A_141 : (vector<16xf32>, vector<16xf32>, vector<16xi1>) -> (vector<16xi1>, vector<16xf32>, vector<16xf32>)
        %parallel_loop3A_145 = arith.minimumf %parallel_loop3A_123, %parallel_loop3A_134 : vector<16xf32>
        %parallel_loop3A_146 = arith.maximumf %parallel_loop3A_123, %parallel_loop3A_134 : vector<16xf32>
        %parallel_loop3A_147 = arith.constant 0.000000e+00 : f32
        %parallel_loop3A_148 = vector.broadcast %parallel_loop3A_147 : f32 to vector<16xf32>
        %parallel_loop3A_149 = arith.subf %parallel_loop3A_148, %parallel_loop3A_146 : vector<16xf32>
        %parallel_loop3A_150 = arith.constant dense<true> : vector<16xi1>
        %parallel_loop3A_151, %parallel_loop3A_152, %parallel_loop3A_153 = tpu.sort %parallel_loop3A_149, %parallel_loop3A_149 masked %parallel_loop3A_150 : (vector<16xf32>, vector<16xf32>, vector<16xi1>) -> (vector<16xi1>, vector<16xf32>, vector<16xf32>)
        %parallel_loop3A_154 = arith.constant 0.000000e+00 : f32
        %parallel_loop3A_155 = vector.broadcast %parallel_loop3A_154 : f32 to vector<16xf32>
        %parallel_loop3A_156 = arith.subf %parallel_loop3A_155, %parallel_loop3A_152 : vector<16xf32>
        %parallel_loop3A_157 = arith.constant 0.000000e+00 : f32
        %parallel_loop3A_158 = vector.broadcast %parallel_loop3A_157 : f32 to vector<16xf32>
        %parallel_loop3A_159 = arith.subf %parallel_loop3A_158, %parallel_loop3A_145 : vector<16xf32>
        %parallel_loop3A_160 = arith.constant dense<true> : vector<16xi1>
        %parallel_loop3A_161, %parallel_loop3A_162, %parallel_loop3A_163 = tpu.sort %parallel_loop3A_159, %parallel_loop3A_159 masked %parallel_loop3A_160 : (vector<16xf32>, vector<16xf32>, vector<16xi1>) -> (vector<16xi1>, vector<16xf32>, vector<16xf32>)
        %parallel_loop3A_164 = arith.constant 0.000000e+00 : f32
        %parallel_loop3A_165 = vector.broadcast %parallel_loop3A_164 : f32 to vector<16xf32>
        %parallel_loop3A_166 = arith.subf %parallel_loop3A_165, %parallel_loop3A_162 : vector<16xf32>
        %parallel_loop3A_167 = arith.minimumf %parallel_loop3A_139, %parallel_loop3A_156 : vector<16xf32>
        %parallel_loop3A_168 = arith.minimumf %parallel_loop3A_143, %parallel_loop3A_166 : vector<16xf32>
        %parallel_loop3A_169 = arith.maximumf %parallel_loop3A_139, %parallel_loop3A_156 : vector<16xf32>
        %parallel_loop3A_170 = arith.maximumf %parallel_loop3A_143, %parallel_loop3A_166 : vector<16xf32>
        %parallel_loop3A_171 = arith.minimumf %parallel_loop3A_167, %parallel_loop3A_168 : vector<16xf32>
        %parallel_loop3A_172 = arith.maximumf %parallel_loop3A_167, %parallel_loop3A_168 : vector<16xf32>
        %parallel_loop3A_173 = arith.minimumf %parallel_loop3A_169, %parallel_loop3A_170 : vector<16xf32>
        %parallel_loop3A_174 = arith.maximumf %parallel_loop3A_169, %parallel_loop3A_170 : vector<16xf32>
        %parallel_loop3A_175 = arith.constant dense<true> : vector<16xi1>
        %parallel_loop3A_176, %parallel_loop3A_177, %parallel_loop3A_178 = tpu.sort %parallel_loop3A_171, %parallel_loop3A_171 masked %parallel_loop3A_175 : (vector<16xf32>, vector<16xf32>, vector<16xi1>) -> (vector<16xi1>, vector<16xf32>, vector<16xf32>)
        %parallel_loop3A_179 = arith.constant dense<true> : vector<16xi1>
        %parallel_loop3A_180, %parallel_loop3A_181, %parallel_loop3A_182 = tpu.sort %parallel_loop3A_172, %parallel_loop3A_172 masked %parallel_loop3A_179 : (vector<16xf32>, vector<16xf32>, vector<16xi1>) -> (vector<16xi1>, vector<16xf32>, vector<16xf32>)
        %parallel_loop3A_183 = arith.constant dense<true> : vector<16xi1>
        %parallel_loop3A_184, %parallel_loop3A_185, %parallel_loop3A_186 = tpu.sort %parallel_loop3A_173, %parallel_loop3A_173 masked %parallel_loop3A_183 : (vector<16xf32>, vector<16xf32>, vector<16xi1>) -> (vector<16xi1>, vector<16xf32>, vector<16xf32>)
        %parallel_loop3A_187 = arith.constant dense<true> : vector<16xi1>
        %parallel_loop3A_188, %parallel_loop3A_189, %parallel_loop3A_190 = tpu.sort %parallel_loop3A_174, %parallel_loop3A_174 masked %parallel_loop3A_187 : (vector<16xf32>, vector<16xf32>, vector<16xi1>) -> (vector<16xi1>, vector<16xf32>, vector<16xf32>)
        %parallel_loop3A_191 = arith.index_cast %parallel_loop3A_84 : i32 to index
        %parallel_loop3A_192 = arith.index_cast %parallel_loop3A_88 : i32 to index
        %parallel_loop3A_193 = tpu.vector_load %arg4[%parallel_loop3A_191, %parallel_loop3A_192] {strides = array<i32>} : memref<8x4096xf32, #tpu.memory_space<vmem>>, vector<16xf32>,
        tpu.vector_store %arg4[%parallel_loop3A_191, %parallel_loop3A_192], %parallel_loop3A_177 {strides = array<i32>} : memref<8x4096xf32, #tpu.memory_space<vmem>>, vector<16xf32>,
        %parallel_loop3A_194 = arith.constant 16 : i32
        %parallel_loop3A_195 = arith.addi %parallel_loop3A_88, %parallel_loop3A_194 : i32
        %parallel_loop3A_196 = arith.index_cast %parallel_loop3A_84 : i32 to index
        %parallel_loop3A_197 = arith.index_cast %parallel_loop3A_195 : i32 to index
        %parallel_loop3A_198 = tpu.vector_load %arg4[%parallel_loop3A_196, %parallel_loop3A_197] {strides = array<i32>} : memref<8x4096xf32, #tpu.memory_space<vmem>>, vector<16xf32>,
        tpu.vector_store %arg4[%parallel_loop3A_196, %parallel_loop3A_197], %parallel_loop3A_181 {strides = array<i32>} : memref<8x4096xf32, #tpu.memory_space<vmem>>, vector<16xf32>,
        %parallel_loop3A_199 = arith.constant 32 : i32
        %parallel_loop3A_200 = arith.addi %parallel_loop3A_88, %parallel_loop3A_199 : i32
        %parallel_loop3A_201 = arith.index_cast %parallel_loop3A_84 : i32 to index
        %parallel_loop3A_202 = arith.index_cast %parallel_loop3A_200 : i32 to index
        %parallel_loop3A_203 = tpu.vector_load %arg4[%parallel_loop3A_201, %parallel_loop3A_202] {strides = array<i32>} : memref<8x4096xf32, #tpu.memory_space<vmem>>, vector<16xf32>,
        tpu.vector_store %arg4[%parallel_loop3A_201, %parallel_loop3A_202], %parallel_loop3A_185 {strides = array<i32>} : memref<8x4096xf32, #tpu.memory_space<vmem>>, vector<16xf32>,
        %parallel_loop3A_204 = arith.constant 48 : i32
        %parallel_loop3A_205 = arith.addi %parallel_loop3A_88, %parallel_loop3A_204 : i32
        %parallel_loop3A_206 = arith.index_cast %parallel_loop3A_84 : i32 to index
        %parallel_loop3A_207 = arith.index_cast %parallel_loop3A_205 : i32 to index
        %parallel_loop3A_208 = tpu.vector_load %arg4[%parallel_loop3A_206, %parallel_loop3A_207] {strides = array<i32>} : memref<8x4096xf32, #tpu.memory_space<vmem>>, vector<16xf32>,
        tpu.vector_store %arg4[%parallel_loop3A_206, %parallel_loop3A_207], %parallel_loop3A_189 {strides = array<i32>} : memref<8x4096xf32, #tpu.memory_space<vmem>>, vector<16xf32>,
      } {sc.loop_unroll_factor = 4 : i64, sc.parallel_access}
      %mul3A_46 = arith.constant 8 : i32
      %mul3A_47 = arith.muli %add3A_24, %mul3A_46 : i32
      %dma_start3A_48 = arith.constant 0 : i32
      %dma_start3A_49 = tpu.memref_slice %arg3[%mul3A_47, %dma_start3A_48] : memref<8192x4096xf32, #tpu.memory_space<hbm>> -> memref<8x4096xf32, #tpu.memory_space<hbm>>
      %dma_start3A_50 = arith.constant 0 : i32
      %dma_start3A_51 = tpu.memref_slice %arg3[%mul3A_47, %dma_start3A_50] : memref<8192x4096xf32, #tpu.memory_space<hbm>> -> memref<8x4096xf32, #tpu.memory_space<hbm>>
      tpu.enqueue_dma source(%arg4 : memref<8x4096xf32, #tpu.memory_space<vmem>>) target(%dma_start3A_51 : memref<8x4096xf32, #tpu.memory_space<hbm>>) target_semaphore(%arg8 : memref<!tpu.dma_semaphore, #tpu.memory_space<semaphore_mem>>)
      %add3A_52 = arith.constant 1 : i32
      %add3A_53 = arith.addi %add3A_24, %add3A_52 : i32
      %mul3A_54 = arith.constant 8 : i32
      %mul3A_55 = arith.muli %add3A_53, %mul3A_54 : i32
      %dma_wait3A_56 = arith.constant 0 : i32
      %dma_wait3A_57 = tpu.memref_slice %arg2[%mul3A_55, %dma_wait3A_56] : memref<8192x4096xf32, #tpu.memory_space<hbm>> -> memref<8x4096xf32, #tpu.memory_space<hbm>>
      %dma_wait3A_58 = arith.constant 0 : i32
      %dma_wait3A_59 = tpu.memref_slice %arg2[%mul3A_55, %dma_wait3A_58] : memref<8192x4096xf32, #tpu.memory_space<hbm>> -> memref<8x4096xf32, #tpu.memory_space<hbm>>
      tpu.wait_dma2 semaphore(%arg7 : memref<!tpu.dma_semaphore, #tpu.memory_space<semaphore_mem>>) src(%dma_wait3A_59 : memref<8x4096xf32, #tpu.memory_space<hbm>>) dst(%arg5 : memref<8x4096xf32, #tpu.memory_space<vmem>>)
      %parallel_loop3A_60 = arith.constant 0 : i32
      %parallel_loop3A_61 = arith.constant 256 : i32
      %parallel_loop3A_62 = arith.constant 1 : i32
      scf.for %parallel_loop3A_82 = %parallel_loop3A_60 to %parallel_loop3A_61 step %parallel_loop3A_62  : i32 {
        %parallel_loop3A_83 = arith.constant 6 : i32
        %parallel_loop3A_84 = arith.shrsi %parallel_loop3A_82, %parallel_loop3A_83 : i32
        %parallel_loop3A_85 = arith.constant 63 : i32
        %parallel_loop3A_86 = arith.andi %parallel_loop3A_82, %parallel_loop3A_85 : i32
        %parallel_loop3A_87 = arith.constant 64 : i32
        %parallel_loop3A_88 = arith.muli %parallel_loop3A_86, %parallel_loop3A_87 : i32
        %parallel_loop3A_89 = arith.index_cast %parallel_loop3A_84 : i32 to index
        %parallel_loop3A_90 = arith.index_cast %parallel_loop3A_88 : i32 to index
        %parallel_loop3A_91 = tpu.vector_load %arg5[%parallel_loop3A_89, %parallel_loop3A_90] {strides = array<i32>} : memref<8x4096xf32, #tpu.memory_space<vmem>>, vector<16xf32>,
        %parallel_loop3A_92 = arith.constant 16 : i32
        %parallel_loop3A_93 = arith.addi %parallel_loop3A_88, %parallel_loop3A_92 : i32
        %parallel_loop3A_94 = arith.index_cast %parallel_loop3A_84 : i32 to index
        %parallel_loop3A_95 = arith.index_cast %parallel_loop3A_93 : i32 to index
        %parallel_loop3A_96 = tpu.vector_load %arg5[%parallel_loop3A_94, %parallel_loop3A_95] {strides = array<i32>} : memref<8x4096xf32, #tpu.memory_space<vmem>>, vector<16xf32>,
        %parallel_loop3A_97 = arith.constant 32 : i32
        %parallel_loop3A_98 = arith.addi %parallel_loop3A_88, %parallel_loop3A_97 : i32
        %parallel_loop3A_99 = arith.index_cast %parallel_loop3A_84 : i32 to index
        %parallel_loop3A_100 = arith.index_cast %parallel_loop3A_98 : i32 to index
        %parallel_loop3A_101 = tpu.vector_load %arg5[%parallel_loop3A_99, %parallel_loop3A_100] {strides = array<i32>} : memref<8x4096xf32, #tpu.memory_space<vmem>>, vector<16xf32>,
        %parallel_loop3A_102 = arith.constant 48 : i32
        %parallel_loop3A_103 = arith.addi %parallel_loop3A_88, %parallel_loop3A_102 : i32
        %parallel_loop3A_104 = arith.index_cast %parallel_loop3A_84 : i32 to index
        %parallel_loop3A_105 = arith.index_cast %parallel_loop3A_103 : i32 to index
        %parallel_loop3A_106 = tpu.vector_load %arg5[%parallel_loop3A_104, %parallel_loop3A_105] {strides = array<i32>} : memref<8x4096xf32, #tpu.memory_space<vmem>>, vector<16xf32>,
        %parallel_loop3A_107 = arith.constant dense<true> : vector<16xi1>
        %parallel_loop3A_108, %parallel_loop3A_109, %parallel_loop3A_110 = tpu.sort %parallel_loop3A_91, %parallel_loop3A_91 masked %parallel_loop3A_107 : (vector<16xf32>, vector<16xf32>, vector<16xi1>) -> (vector<16xi1>, vector<16xf32>, vector<16xf32>)
        %parallel_loop3A_111 = arith.constant 0.000000e+00 : f32
        %parallel_loop3A_112 = vector.broadcast %parallel_loop3A_111 : f32 to vector<16xf32>
        %parallel_loop3A_113 = arith.subf %parallel_loop3A_112, %parallel_loop3A_96 : vector<16xf32>
        %parallel_loop3A_114 = arith.constant dense<true> : vector<16xi1>
        %parallel_loop3A_115, %parallel_loop3A_116, %parallel_loop3A_117 = tpu.sort %parallel_loop3A_113, %parallel_loop3A_113 masked %parallel_loop3A_114 : (vector<16xf32>, vector<16xf32>, vector<16xi1>) -> (vector<16xi1>, vector<16xf32>, vector<16xf32>)
        %parallel_loop3A_118 = arith.constant 0.000000e+00 : f32
        %parallel_loop3A_119 = vector.broadcast %parallel_loop3A_118 : f32 to vector<16xf32>
        %parallel_loop3A_120 = arith.subf %parallel_loop3A_119, %parallel_loop3A_116 : vector<16xf32>
        %parallel_loop3A_121 = arith.constant dense<true> : vector<16xi1>
        %parallel_loop3A_122, %parallel_loop3A_123, %parallel_loop3A_124 = tpu.sort %parallel_loop3A_101, %parallel_loop3A_101 masked %parallel_loop3A_121 : (vector<16xf32>, vector<16xf32>, vector<16xi1>) -> (vector<16xi1>, vector<16xf32>, vector<16xf32>)
        %parallel_loop3A_125 = arith.constant 0.000000e+00 : f32
        %parallel_loop3A_126 = vector.broadcast %parallel_loop3A_125 : f32 to vector<16xf32>
        %parallel_loop3A_127 = arith.subf %parallel_loop3A_126, %parallel_loop3A_106 : vector<16xf32>
        %parallel_loop3A_128 = arith.constant dense<true> : vector<16xi1>
        %parallel_loop3A_129, %parallel_loop3A_130, %parallel_loop3A_131 = tpu.sort %parallel_loop3A_127, %parallel_loop3A_127 masked %parallel_loop3A_128 : (vector<16xf32>, vector<16xf32>, vector<16xi1>) -> (vector<16xi1>, vector<16xf32>, vector<16xf32>)
        %parallel_loop3A_132 = arith.constant 0.000000e+00 : f32
        %parallel_loop3A_133 = vector.broadcast %parallel_loop3A_132 : f32 to vector<16xf32>
        %parallel_loop3A_134 = arith.subf %parallel_loop3A_133, %parallel_loop3A_130 : vector<16xf32>
        %parallel_loop3A_135 = arith.minimumf %parallel_loop3A_109, %parallel_loop3A_120 : vector<16xf32>
        %parallel_loop3A_136 = arith.maximumf %parallel_loop3A_109, %parallel_loop3A_120 : vector<16xf32>
        %parallel_loop3A_137 = arith.constant dense<true> : vector<16xi1>
        %parallel_loop3A_138, %parallel_loop3A_139, %parallel_loop3A_140 = tpu.sort %parallel_loop3A_135, %parallel_loop3A_135 masked %parallel_loop3A_137 : (vector<16xf32>, vector<16xf32>, vector<16xi1>) -> (vector<16xi1>, vector<16xf32>, vector<16xf32>)
        %parallel_loop3A_141 = arith.constant dense<true> : vector<16xi1>
        %parallel_loop3A_142, %parallel_loop3A_143, %parallel_loop3A_144 = tpu.sort %parallel_loop3A_136, %parallel_loop3A_136 masked %parallel_loop3A_141 : (vector<16xf32>, vector<16xf32>, vector<16xi1>) -> (vector<16xi1>, vector<16xf32>, vector<16xf32>)
        %parallel_loop3A_145 = arith.minimumf %parallel_loop3A_123, %parallel_loop3A_134 : vector<16xf32>
        %parallel_loop3A_146 = arith.maximumf %parallel_loop3A_123, %parallel_loop3A_134 : vector<16xf32>
        %parallel_loop3A_147 = arith.constant 0.000000e+00 : f32
        %parallel_loop3A_148 = vector.broadcast %parallel_loop3A_147 : f32 to vector<16xf32>
        %parallel_loop3A_149 = arith.subf %parallel_loop3A_148, %parallel_loop3A_146 : vector<16xf32>
        %parallel_loop3A_150 = arith.constant dense<true> : vector<16xi1>
        %parallel_loop3A_151, %parallel_loop3A_152, %parallel_loop3A_153 = tpu.sort %parallel_loop3A_149, %parallel_loop3A_149 masked %parallel_loop3A_150 : (vector<16xf32>, vector<16xf32>, vector<16xi1>) -> (vector<16xi1>, vector<16xf32>, vector<16xf32>)
        %parallel_loop3A_154 = arith.constant 0.000000e+00 : f32
        %parallel_loop3A_155 = vector.broadcast %parallel_loop3A_154 : f32 to vector<16xf32>
        %parallel_loop3A_156 = arith.subf %parallel_loop3A_155, %parallel_loop3A_152 : vector<16xf32>
        %parallel_loop3A_157 = arith.constant 0.000000e+00 : f32
        %parallel_loop3A_158 = vector.broadcast %parallel_loop3A_157 : f32 to vector<16xf32>
        %parallel_loop3A_159 = arith.subf %parallel_loop3A_158, %parallel_loop3A_145 : vector<16xf32>
        %parallel_loop3A_160 = arith.constant dense<true> : vector<16xi1>
        %parallel_loop3A_161, %parallel_loop3A_162, %parallel_loop3A_163 = tpu.sort %parallel_loop3A_159, %parallel_loop3A_159 masked %parallel_loop3A_160 : (vector<16xf32>, vector<16xf32>, vector<16xi1>) -> (vector<16xi1>, vector<16xf32>, vector<16xf32>)
        %parallel_loop3A_164 = arith.constant 0.000000e+00 : f32
        %parallel_loop3A_165 = vector.broadcast %parallel_loop3A_164 : f32 to vector<16xf32>
        %parallel_loop3A_166 = arith.subf %parallel_loop3A_165, %parallel_loop3A_162 : vector<16xf32>
        %parallel_loop3A_167 = arith.minimumf %parallel_loop3A_139, %parallel_loop3A_156 : vector<16xf32>
        %parallel_loop3A_168 = arith.minimumf %parallel_loop3A_143, %parallel_loop3A_166 : vector<16xf32>
        %parallel_loop3A_169 = arith.maximumf %parallel_loop3A_139, %parallel_loop3A_156 : vector<16xf32>
        %parallel_loop3A_170 = arith.maximumf %parallel_loop3A_143, %parallel_loop3A_166 : vector<16xf32>
        %parallel_loop3A_171 = arith.minimumf %parallel_loop3A_167, %parallel_loop3A_168 : vector<16xf32>
        %parallel_loop3A_172 = arith.maximumf %parallel_loop3A_167, %parallel_loop3A_168 : vector<16xf32>
        %parallel_loop3A_173 = arith.minimumf %parallel_loop3A_169, %parallel_loop3A_170 : vector<16xf32>
        %parallel_loop3A_174 = arith.maximumf %parallel_loop3A_169, %parallel_loop3A_170 : vector<16xf32>
        %parallel_loop3A_175 = arith.constant dense<true> : vector<16xi1>
        %parallel_loop3A_176, %parallel_loop3A_177, %parallel_loop3A_178 = tpu.sort %parallel_loop3A_171, %parallel_loop3A_171 masked %parallel_loop3A_175 : (vector<16xf32>, vector<16xf32>, vector<16xi1>) -> (vector<16xi1>, vector<16xf32>, vector<16xf32>)
        %parallel_loop3A_179 = arith.constant dense<true> : vector<16xi1>
        %parallel_loop3A_180, %parallel_loop3A_181, %parallel_loop3A_182 = tpu.sort %parallel_loop3A_172, %parallel_loop3A_172 masked %parallel_loop3A_179 : (vector<16xf32>, vector<16xf32>, vector<16xi1>) -> (vector<16xi1>, vector<16xf32>, vector<16xf32>)
        %parallel_loop3A_183 = arith.constant dense<true> : vector<16xi1>
        %parallel_loop3A_184, %parallel_loop3A_185, %parallel_loop3A_186 = tpu.sort %parallel_loop3A_173, %parallel_loop3A_173 masked %parallel_loop3A_183 : (vector<16xf32>, vector<16xf32>, vector<16xi1>) -> (vector<16xi1>, vector<16xf32>, vector<16xf32>)
        %parallel_loop3A_187 = arith.constant dense<true> : vector<16xi1>
        %parallel_loop3A_188, %parallel_loop3A_189, %parallel_loop3A_190 = tpu.sort %parallel_loop3A_174, %parallel_loop3A_174 masked %parallel_loop3A_187 : (vector<16xf32>, vector<16xf32>, vector<16xi1>) -> (vector<16xi1>, vector<16xf32>, vector<16xf32>)
        %parallel_loop3A_191 = arith.index_cast %parallel_loop3A_84 : i32 to index
        %parallel_loop3A_192 = arith.index_cast %parallel_loop3A_88 : i32 to index
        %parallel_loop3A_193 = tpu.vector_load %arg5[%parallel_loop3A_191, %parallel_loop3A_192] {strides = array<i32>} : memref<8x4096xf32, #tpu.memory_space<vmem>>, vector<16xf32>,
        tpu.vector_store %arg5[%parallel_loop3A_191, %parallel_loop3A_192], %parallel_loop3A_177 {strides = array<i32>} : memref<8x4096xf32, #tpu.memory_space<vmem>>, vector<16xf32>,
        %parallel_loop3A_194 = arith.constant 16 : i32
        %parallel_loop3A_195 = arith.addi %parallel_loop3A_88, %parallel_loop3A_194 : i32
        %parallel_loop3A_196 = arith.index_cast %parallel_loop3A_84 : i32 to index
        %parallel_loop3A_197 = arith.index_cast %parallel_loop3A_195 : i32 to index
        %parallel_loop3A_198 = tpu.vector_load %arg5[%parallel_loop3A_196, %parallel_loop3A_197] {strides = array<i32>} : memref<8x4096xf32, #tpu.memory_space<vmem>>, vector<16xf32>,
        tpu.vector_store %arg5[%parallel_loop3A_196, %parallel_loop3A_197], %parallel_loop3A_181 {strides = array<i32>} : memref<8x4096xf32, #tpu.memory_space<vmem>>, vector<16xf32>,
        %parallel_loop3A_199 = arith.constant 32 : i32
        %parallel_loop3A_200 = arith.addi %parallel_loop3A_88, %parallel_loop3A_199 : i32
        %parallel_loop3A_201 = arith.index_cast %parallel_loop3A_84 : i32 to index
        %parallel_loop3A_202 = arith.index_cast %parallel_loop3A_200 : i32 to index
        %parallel_loop3A_203 = tpu.vector_load %arg5[%parallel_loop3A_201, %parallel_loop3A_202] {strides = array<i32>} : memref<8x4096xf32, #tpu.memory_space<vmem>>, vector<16xf32>,
        tpu.vector_store %arg5[%parallel_loop3A_201, %parallel_loop3A_202], %parallel_loop3A_185 {strides = array<i32>} : memref<8x4096xf32, #tpu.memory_space<vmem>>, vector<16xf32>,
        %parallel_loop3A_204 = arith.constant 48 : i32
        %parallel_loop3A_205 = arith.addi %parallel_loop3A_88, %parallel_loop3A_204 : i32
        %parallel_loop3A_206 = arith.index_cast %parallel_loop3A_84 : i32 to index
        %parallel_loop3A_207 = arith.index_cast %parallel_loop3A_205 : i32 to index
        %parallel_loop3A_208 = tpu.vector_load %arg5[%parallel_loop3A_206, %parallel_loop3A_207] {strides = array<i32>} : memref<8x4096xf32, #tpu.memory_space<vmem>>, vector<16xf32>,
        tpu.vector_store %arg5[%parallel_loop3A_206, %parallel_loop3A_207], %parallel_loop3A_189 {strides = array<i32>} : memref<8x4096xf32, #tpu.memory_space<vmem>>, vector<16xf32>,
      } {sc.loop_unroll_factor = 4 : i64, sc.parallel_access}
      %mul3A_63 = arith.constant 8 : i32
      %mul3A_64 = arith.muli %add3A_24, %mul3A_63 : i32
      %dma_wait3A_65 = arith.constant 0 : i32
      %dma_wait3A_66 = tpu.memref_slice %arg3[%mul3A_64, %dma_wait3A_65] : memref<8192x4096xf32, #tpu.memory_space<hbm>> -> memref<8x4096xf32, #tpu.memory_space<hbm>>
      %dma_wait3A_67 = arith.constant 0 : i32
      %dma_wait3A_68 = tpu.memref_slice %arg3[%mul3A_64, %dma_wait3A_67] : memref<8192x4096xf32, #tpu.memory_space<hbm>> -> memref<8x4096xf32, #tpu.memory_space<hbm>>
      tpu.wait_dma2 semaphore(%arg8 : memref<!tpu.dma_semaphore, #tpu.memory_space<semaphore_mem>>) src(%arg4 : memref<8x4096xf32, #tpu.memory_space<vmem>>) dst(%dma_wait3A_68 : memref<8x4096xf32, #tpu.memory_space<hbm>>)
      %lt3A = arith.constant 15 : i32
      %lt3A_69 = arith.cmpi slt, %scan3A_21, %lt3A : i32
      %convert_element_type3A_70 = arith.extui %lt3A_69 : i1 to i32
      %cond3A_71 = arith.constant 0 : i32
      %cond3A_72 = arith.cmpi ne, %convert_element_type3A_70, %cond3A_71 : i32
      scf.if %cond3A_72 {
        %add3A_82 = arith.constant 1 : i32
        %add3A_83 = arith.addi %add3A_53, %add3A_82 : i32
        %mul3A_84 = arith.constant 8 : i32
        %mul3A_85 = arith.muli %add3A_83, %mul3A_84 : i32
        %dma_start3A_86 = arith.constant 0 : i32
        %dma_start3A_87 = tpu.memref_slice %arg2[%mul3A_85, %dma_start3A_86] : memref<8192x4096xf32, #tpu.memory_space<hbm>> -> memref<8x4096xf32, #tpu.memory_space<hbm>>
        %dma_start3A_88 = arith.constant 0 : i32
        %dma_start3A_89 = tpu.memref_slice %arg2[%mul3A_85, %dma_start3A_88] : memref<8192x4096xf32, #tpu.memory_space<hbm>> -> memref<8x4096xf32, #tpu.memory_space<hbm>>
        tpu.enqueue_dma source(%dma_start3A_89 : memref<8x4096xf32, #tpu.memory_space<hbm>>) target(%arg4 : memref<8x4096xf32, #tpu.memory_space<vmem>>) target_semaphore(%arg6 : memref<!tpu.dma_semaphore, #tpu.memory_space<semaphore_mem>>)
      } else {
      }
      %parallel_loop3A_73 = arith.constant 256 : i32
      %parallel_loop3A_74 = arith.constant 512 : i32
      %parallel_loop3A_75 = arith.constant 1 : i32
      scf.for %parallel_loop3A_82 = %parallel_loop3A_73 to %parallel_loop3A_74 step %parallel_loop3A_75  : i32 {
        %parallel_loop3A_83 = arith.constant 6 : i32
        %parallel_loop3A_84 = arith.shrsi %parallel_loop3A_82, %parallel_loop3A_83 : i32
        %parallel_loop3A_85 = arith.constant 63 : i32
        %parallel_loop3A_86 = arith.andi %parallel_loop3A_82, %parallel_loop3A_85 : i32
        %parallel_loop3A_87 = arith.constant 64 : i32
        %parallel_loop3A_88 = arith.muli %parallel_loop3A_86, %parallel_loop3A_87 : i32
        %parallel_loop3A_89 = arith.index_cast %parallel_loop3A_84 : i32 to index
        %parallel_loop3A_90 = arith.index_cast %parallel_loop3A_88 : i32 to index
        %parallel_loop3A_91 = tpu.vector_load %arg5[%parallel_loop3A_89, %parallel_loop3A_90] {strides = array<i32>} : memref<8x4096xf32, #tpu.memory_space<vmem>>, vector<16xf32>,
        %parallel_loop3A_92 = arith.constant 16 : i32
        %parallel_loop3A_93 = arith.addi %parallel_loop3A_88, %parallel_loop3A_92 : i32
        %parallel_loop3A_94 = arith.index_cast %parallel_loop3A_84 : i32 to index
        %parallel_loop3A_95 = arith.index_cast %parallel_loop3A_93 : i32 to index
        %parallel_loop3A_96 = tpu.vector_load %arg5[%parallel_loop3A_94, %parallel_loop3A_95] {strides = array<i32>} : memref<8x4096xf32, #tpu.memory_space<vmem>>, vector<16xf32>,
        %parallel_loop3A_97 = arith.constant 32 : i32
        %parallel_loop3A_98 = arith.addi %parallel_loop3A_88, %parallel_loop3A_97 : i32
        %parallel_loop3A_99 = arith.index_cast %parallel_loop3A_84 : i32 to index
        %parallel_loop3A_100 = arith.index_cast %parallel_loop3A_98 : i32 to index
        %parallel_loop3A_101 = tpu.vector_load %arg5[%parallel_loop3A_99, %parallel_loop3A_100] {strides = array<i32>} : memref<8x4096xf32, #tpu.memory_space<vmem>>, vector<16xf32>,
        %parallel_loop3A_102 = arith.constant 48 : i32
        %parallel_loop3A_103 = arith.addi %parallel_loop3A_88, %parallel_loop3A_102 : i32
        %parallel_loop3A_104 = arith.index_cast %parallel_loop3A_84 : i32 to index
        %parallel_loop3A_105 = arith.index_cast %parallel_loop3A_103 : i32 to index
        %parallel_loop3A_106 = tpu.vector_load %arg5[%parallel_loop3A_104, %parallel_loop3A_105] {strides = array<i32>} : memref<8x4096xf32, #tpu.memory_space<vmem>>, vector<16xf32>,
        %parallel_loop3A_107 = arith.constant dense<true> : vector<16xi1>
        %parallel_loop3A_108, %parallel_loop3A_109, %parallel_loop3A_110 = tpu.sort %parallel_loop3A_91, %parallel_loop3A_91 masked %parallel_loop3A_107 : (vector<16xf32>, vector<16xf32>, vector<16xi1>) -> (vector<16xi1>, vector<16xf32>, vector<16xf32>)
        %parallel_loop3A_111 = arith.constant 0.000000e+00 : f32
        %parallel_loop3A_112 = vector.broadcast %parallel_loop3A_111 : f32 to vector<16xf32>
        %parallel_loop3A_113 = arith.subf %parallel_loop3A_112, %parallel_loop3A_96 : vector<16xf32>
        %parallel_loop3A_114 = arith.constant dense<true> : vector<16xi1>
        %parallel_loop3A_115, %parallel_loop3A_116, %parallel_loop3A_117 = tpu.sort %parallel_loop3A_113, %parallel_loop3A_113 masked %parallel_loop3A_114 : (vector<16xf32>, vector<16xf32>, vector<16xi1>) -> (vector<16xi1>, vector<16xf32>, vector<16xf32>)
        %parallel_loop3A_118 = arith.constant 0.000000e+00 : f32
        %parallel_loop3A_119 = vector.broadcast %parallel_loop3A_118 : f32 to vector<16xf32>
        %parallel_loop3A_120 = arith.subf %parallel_loop3A_119, %parallel_loop3A_116 : vector<16xf32>
        %parallel_loop3A_121 = arith.constant dense<true> : vector<16xi1>
        %parallel_loop3A_122, %parallel_loop3A_123, %parallel_loop3A_124 = tpu.sort %parallel_loop3A_101, %parallel_loop3A_101 masked %parallel_loop3A_121 : (vector<16xf32>, vector<16xf32>, vector<16xi1>) -> (vector<16xi1>, vector<16xf32>, vector<16xf32>)
        %parallel_loop3A_125 = arith.constant 0.000000e+00 : f32
        %parallel_loop3A_126 = vector.broadcast %parallel_loop3A_125 : f32 to vector<16xf32>
        %parallel_loop3A_127 = arith.subf %parallel_loop3A_126, %parallel_loop3A_106 : vector<16xf32>
        %parallel_loop3A_128 = arith.constant dense<true> : vector<16xi1>
        %parallel_loop3A_129, %parallel_loop3A_130, %parallel_loop3A_131 = tpu.sort %parallel_loop3A_127, %parallel_loop3A_127 masked %parallel_loop3A_128 : (vector<16xf32>, vector<16xf32>, vector<16xi1>) -> (vector<16xi1>, vector<16xf32>, vector<16xf32>)
        %parallel_loop3A_132 = arith.constant 0.000000e+00 : f32
        %parallel_loop3A_133 = vector.broadcast %parallel_loop3A_132 : f32 to vector<16xf32>
        %parallel_loop3A_134 = arith.subf %parallel_loop3A_133, %parallel_loop3A_130 : vector<16xf32>
        %parallel_loop3A_135 = arith.minimumf %parallel_loop3A_109, %parallel_loop3A_120 : vector<16xf32>
        %parallel_loop3A_136 = arith.maximumf %parallel_loop3A_109, %parallel_loop3A_120 : vector<16xf32>
        %parallel_loop3A_137 = arith.constant dense<true> : vector<16xi1>
        %parallel_loop3A_138, %parallel_loop3A_139, %parallel_loop3A_140 = tpu.sort %parallel_loop3A_135, %parallel_loop3A_135 masked %parallel_loop3A_137 : (vector<16xf32>, vector<16xf32>, vector<16xi1>) -> (vector<16xi1>, vector<16xf32>, vector<16xf32>)
        %parallel_loop3A_141 = arith.constant dense<true> : vector<16xi1>
        %parallel_loop3A_142, %parallel_loop3A_143, %parallel_loop3A_144 = tpu.sort %parallel_loop3A_136, %parallel_loop3A_136 masked %parallel_loop3A_141 : (vector<16xf32>, vector<16xf32>, vector<16xi1>) -> (vector<16xi1>, vector<16xf32>, vector<16xf32>)
        %parallel_loop3A_145 = arith.minimumf %parallel_loop3A_123, %parallel_loop3A_134 : vector<16xf32>
        %parallel_loop3A_146 = arith.maximumf %parallel_loop3A_123, %parallel_loop3A_134 : vector<16xf32>
        %parallel_loop3A_147 = arith.constant 0.000000e+00 : f32
        %parallel_loop3A_148 = vector.broadcast %parallel_loop3A_147 : f32 to vector<16xf32>
        %parallel_loop3A_149 = arith.subf %parallel_loop3A_148, %parallel_loop3A_146 : vector<16xf32>
        %parallel_loop3A_150 = arith.constant dense<true> : vector<16xi1>
        %parallel_loop3A_151, %parallel_loop3A_152, %parallel_loop3A_153 = tpu.sort %parallel_loop3A_149, %parallel_loop3A_149 masked %parallel_loop3A_150 : (vector<16xf32>, vector<16xf32>, vector<16xi1>) -> (vector<16xi1>, vector<16xf32>, vector<16xf32>)
        %parallel_loop3A_154 = arith.constant 0.000000e+00 : f32
        %parallel_loop3A_155 = vector.broadcast %parallel_loop3A_154 : f32 to vector<16xf32>
        %parallel_loop3A_156 = arith.subf %parallel_loop3A_155, %parallel_loop3A_152 : vector<16xf32>
        %parallel_loop3A_157 = arith.constant 0.000000e+00 : f32
        %parallel_loop3A_158 = vector.broadcast %parallel_loop3A_157 : f32 to vector<16xf32>
        %parallel_loop3A_159 = arith.subf %parallel_loop3A_158, %parallel_loop3A_145 : vector<16xf32>
        %parallel_loop3A_160 = arith.constant dense<true> : vector<16xi1>
        %parallel_loop3A_161, %parallel_loop3A_162, %parallel_loop3A_163 = tpu.sort %parallel_loop3A_159, %parallel_loop3A_159 masked %parallel_loop3A_160 : (vector<16xf32>, vector<16xf32>, vector<16xi1>) -> (vector<16xi1>, vector<16xf32>, vector<16xf32>)
        %parallel_loop3A_164 = arith.constant 0.000000e+00 : f32
        %parallel_loop3A_165 = vector.broadcast %parallel_loop3A_164 : f32 to vector<16xf32>
        %parallel_loop3A_166 = arith.subf %parallel_loop3A_165, %parallel_loop3A_162 : vector<16xf32>
        %parallel_loop3A_167 = arith.minimumf %parallel_loop3A_139, %parallel_loop3A_156 : vector<16xf32>
        %parallel_loop3A_168 = arith.minimumf %parallel_loop3A_143, %parallel_loop3A_166 : vector<16xf32>
        %parallel_loop3A_169 = arith.maximumf %parallel_loop3A_139, %parallel_loop3A_156 : vector<16xf32>
        %parallel_loop3A_170 = arith.maximumf %parallel_loop3A_143, %parallel_loop3A_166 : vector<16xf32>
        %parallel_loop3A_171 = arith.minimumf %parallel_loop3A_167, %parallel_loop3A_168 : vector<16xf32>
        %parallel_loop3A_172 = arith.maximumf %parallel_loop3A_167, %parallel_loop3A_168 : vector<16xf32>
        %parallel_loop3A_173 = arith.minimumf %parallel_loop3A_169, %parallel_loop3A_170 : vector<16xf32>
        %parallel_loop3A_174 = arith.maximumf %parallel_loop3A_169, %parallel_loop3A_170 : vector<16xf32>
        %parallel_loop3A_175 = arith.constant dense<true> : vector<16xi1>
        %parallel_loop3A_176, %parallel_loop3A_177, %parallel_loop3A_178 = tpu.sort %parallel_loop3A_171, %parallel_loop3A_171 masked %parallel_loop3A_175 : (vector<16xf32>, vector<16xf32>, vector<16xi1>) -> (vector<16xi1>, vector<16xf32>, vector<16xf32>)
        %parallel_loop3A_179 = arith.constant dense<true> : vector<16xi1>
        %parallel_loop3A_180, %parallel_loop3A_181, %parallel_loop3A_182 = tpu.sort %parallel_loop3A_172, %parallel_loop3A_172 masked %parallel_loop3A_179 : (vector<16xf32>, vector<16xf32>, vector<16xi1>) -> (vector<16xi1>, vector<16xf32>, vector<16xf32>)
        %parallel_loop3A_183 = arith.constant dense<true> : vector<16xi1>
        %parallel_loop3A_184, %parallel_loop3A_185, %parallel_loop3A_186 = tpu.sort %parallel_loop3A_173, %parallel_loop3A_173 masked %parallel_loop3A_183 : (vector<16xf32>, vector<16xf32>, vector<16xi1>) -> (vector<16xi1>, vector<16xf32>, vector<16xf32>)
        %parallel_loop3A_187 = arith.constant dense<true> : vector<16xi1>
        %parallel_loop3A_188, %parallel_loop3A_189, %parallel_loop3A_190 = tpu.sort %parallel_loop3A_174, %parallel_loop3A_174 masked %parallel_loop3A_187 : (vector<16xf32>, vector<16xf32>, vector<16xi1>) -> (vector<16xi1>, vector<16xf32>, vector<16xf32>)
        %parallel_loop3A_191 = arith.index_cast %parallel_loop3A_84 : i32 to index
        %parallel_loop3A_192 = arith.index_cast %parallel_loop3A_88 : i32 to index
        %parallel_loop3A_193 = tpu.vector_load %arg5[%parallel_loop3A_191, %parallel_loop3A_192] {strides = array<i32>} : memref<8x4096xf32, #tpu.memory_space<vmem>>, vector<16xf32>,
        tpu.vector_store %arg5[%parallel_loop3A_191, %parallel_loop3A_192], %parallel_loop3A_177 {strides = array<i32>} : memref<8x4096xf32, #tpu.memory_space<vmem>>, vector<16xf32>,
        %parallel_loop3A_194 = arith.constant 16 : i32
        %parallel_loop3A_195 = arith.addi %parallel_loop3A_88, %parallel_loop3A_194 : i32
        %parallel_loop3A_196 = arith.index_cast %parallel_loop3A_84 : i32 to index
        %parallel_loop3A_197 = arith.index_cast %parallel_loop3A_195 : i32 to index
        %parallel_loop3A_198 = tpu.vector_load %arg5[%parallel_loop3A_196, %parallel_loop3A_197] {strides = array<i32>} : memref<8x4096xf32, #tpu.memory_space<vmem>>, vector<16xf32>,
        tpu.vector_store %arg5[%parallel_loop3A_196, %parallel_loop3A_197], %parallel_loop3A_181 {strides = array<i32>} : memref<8x4096xf32, #tpu.memory_space<vmem>>, vector<16xf32>,
        %parallel_loop3A_199 = arith.constant 32 : i32
        %parallel_loop3A_200 = arith.addi %parallel_loop3A_88, %parallel_loop3A_199 : i32
        %parallel_loop3A_201 = arith.index_cast %parallel_loop3A_84 : i32 to index
        %parallel_loop3A_202 = arith.index_cast %parallel_loop3A_200 : i32 to index
        %parallel_loop3A_203 = tpu.vector_load %arg5[%parallel_loop3A_201, %parallel_loop3A_202] {strides = array<i32>} : memref<8x4096xf32, #tpu.memory_space<vmem>>, vector<16xf32>,
        tpu.vector_store %arg5[%parallel_loop3A_201, %parallel_loop3A_202], %parallel_loop3A_185 {strides = array<i32>} : memref<8x4096xf32, #tpu.memory_space<vmem>>, vector<16xf32>,
        %parallel_loop3A_204 = arith.constant 48 : i32
        %parallel_loop3A_205 = arith.addi %parallel_loop3A_88, %parallel_loop3A_204 : i32
        %parallel_loop3A_206 = arith.index_cast %parallel_loop3A_84 : i32 to index
        %parallel_loop3A_207 = arith.index_cast %parallel_loop3A_205 : i32 to index
        %parallel_loop3A_208 = tpu.vector_load %arg5[%parallel_loop3A_206, %parallel_loop3A_207] {strides = array<i32>} : memref<8x4096xf32, #tpu.memory_space<vmem>>, vector<16xf32>,
        tpu.vector_store %arg5[%parallel_loop3A_206, %parallel_loop3A_207], %parallel_loop3A_189 {strides = array<i32>} : memref<8x4096xf32, #tpu.memory_space<vmem>>, vector<16xf32>,
      } {sc.loop_unroll_factor = 4 : i64, sc.parallel_access}
      %mul3A_76 = arith.constant 8 : i32
      %mul3A_77 = arith.muli %add3A_53, %mul3A_76 : i32
      %dma_start3A_78 = arith.constant 0 : i32
      %dma_start3A_79 = tpu.memref_slice %arg3[%mul3A_77, %dma_start3A_78] : memref<8192x4096xf32, #tpu.memory_space<hbm>> -> memref<8x4096xf32, #tpu.memory_space<hbm>>
      %dma_start3A_80 = arith.constant 0 : i32
      %dma_start3A_81 = tpu.memref_slice %arg3[%mul3A_77, %dma_start3A_80] : memref<8192x4096xf32, #tpu.memory_space<hbm>> -> memref<8x4096xf32, #tpu.memory_space<hbm>>
      tpu.enqueue_dma source(%arg5 : memref<8x4096xf32, #tpu.memory_space<vmem>>) target(%dma_start3A_81 : memref<8x4096xf32, #tpu.memory_space<hbm>>) target_semaphore(%arg9 : memref<!tpu.dma_semaphore, #tpu.memory_space<semaphore_mem>>)
    }
    %scan3A_12 = arith.constant 16 : i32
    %add3A_13 = arith.constant 32 : i32
    %add3A_14 = arith.addi %mul3A_2, %add3A_13 : i32
    %sub3A = arith.constant 1 : i32
    %sub3A_15 = arith.subi %add3A_14, %sub3A : i32
    %mul3A_16 = arith.constant 8 : i32
    %mul3A_17 = arith.muli %sub3A_15, %mul3A_16 : i32
    %dma_wait3A = arith.constant 0 : i32
    %dma_wait3A_18 = tpu.memref_slice %arg3[%mul3A_17, %dma_wait3A] : memref<8192x4096xf32, #tpu.memory_space<hbm>> -> memref<8x4096xf32, #tpu.memory_space<hbm>>
    %dma_wait3A_19 = arith.constant 0 : i32
    %dma_wait3A_20 = tpu.memref_slice %arg3[%mul3A_17, %dma_wait3A_19] : memref<8192x4096xf32, #tpu.memory_space<hbm>> -> memref<8x4096xf32, #tpu.memory_space<hbm>>
    tpu.wait_dma2 semaphore(%arg9 : memref<!tpu.dma_semaphore, #tpu.memory_space<semaphore_mem>>) src(%arg5 : memref<8x4096xf32, #tpu.memory_space<vmem>>) dst(%dma_wait3A_20 : memref<8x4096xf32, #tpu.memory_space<hbm>>)
    return
  }
}

</mosaic_0001>

<sc_bundles>
// kernel: kernel.3.cloned.1.call-start
scs
__scs_entry_jumppad:
0x0: {  	(pc) =	sbr.rel $0x88, $3  }
0x1: {  	(tag) =	ssettag $0x0;
	lr =	simm.s32 $0x1  }
0x2: {  	[smem:$0x3FA0] =	sst lr;
	_ =	strace $0xD0000000  }
0x3: {  	_ = 	snop  }
0x4: {  	_ = 	snop  }
0x5: {  	_ = 	snop  }
0x6: {  	_ = 	snop  }
0x7: {  	_ = 	snop  }
__scs_overlays_trampoline_lowered:
0x8: {  	[smem:$0x3FAF] =	sst s0  }
0x9: {  	[smem:$0x3FB0] =	sst s1  }
0xa: {  	[smem:$0x3FB1] =	sst s2  }
0xb: {  	[smem:$0x3FB2] =	sst s3  }
0xc: {  	[smem:$0x3FB3] =	sst s4  }
0xd: {  	[smem:$0x3FB4] =	sst s5  }
0xe: {  	[smem:$0x3FB5] =	sst s6  }
0xf: {  	[smem:$0x3FB6] =	sst s7  }
0x10: {  	[smem:$0x3FB7] =	sst s8  }
0x11: {  	[smem:$0x3FB8] =	sst s9;
	s0 =	simm.s32 @!p0 $0x0  }
0x12: {  	s1 =	sld [smem:$0x3F9E];
	s0 =	simm.s32 @p0 $0x1  }
0x13: {  	[smem:$0x3FB9] =	sst s0;
	s0 =	simm.s32 @!p1 $0x0  }
0x14: {  	s2 =	sld [smem:$0x3F9D];
	s0 =	simm.s32 @p1 $0x1  }
0x15: {  	[smem:$0x3FBA] =	sst s0;
	s0 =	simm.s32 @!p2 $0x0  }
0x16: {  	s3 =	sld [smem:$0x3FDB];
	s0 =	simm.s32 @p2 $0x1  }
0x17: {  	s4 =	simm.s32 $0x1BF5;
	[smem:$0x3FBC] =	sst s0  }
0x18: {  	s0 =	sld [smem:$0x3F9F];
	_ =	swait.ge [sflag:s4], $0x0  }
0x19: {  	s7 =	sld [smem:$0x3FA0]  }
0x1a: {  	s8 =	sadd.s32 $0xFFFFE003, lr  }
0x1b: {  	s9 =	sadd.s32 $0xFFFFFEF7, lr;
	s5 =	simm.s32 $0xFFFFFFFF;
	p2 =	slt.u32 s8, $0xFFFFF086  }
0x1c: {  	p1 =	slt.u32 s9, $0xF7A;
	s5 =	simm.s32 @!p2 $0x0  }
0x1d: {  	s5 =	simm.s32 @p1 $0x1;
	p0 =	seq.s32 s7, s2  }
0x1e: {  	s7 =	smul.u32 @!p0 $0xF7A, s2;
	p2 =	seq.s32 @!p0 s5, $0x0  }
0x1f: {  	s9 =	smul.u32 $0xF7A, s1;
	s8 =	simm.s32 @!p0 $0x1BF5;
	p2 =	por !p2, p0  }
0x20: {  	[sflag:s8] =	ssyncset.s32 @!p0 $0xFFFFF086;
	s6 =	sadd.s32 @!p0 s3, s7;
	s7 =	simm.s32 @!p0 $0x108  }
0x21: {  	s3 =	sadd.s32 s3, s9;
	s6 =	sadd.s32 @!p0 $0x88, s6;
	s7 =	simm.s32 @p2 $0x1082  }
0x22: {  	[simem:s7], [sflag:s8] =	dma.local @!p0 [hbm:s6], $0xF7A  }
0x23: {  	s9 =	sor.u32 $0xD0000000, s2;
	s6 =	simm.s32 $0x108;
	_ =	swait.ge @!p0 [sflag:s8], $0x0  }
0x24: {  	s3 =	sadd.s32 $0x88, s3;
	s6 =	simm.s32 @!p1 $0x1082;
	[sflag:s4] =	ssyncset.s32 $0xFFFFF086  }
0x25: {  	[simem:s6], [sflag:s4] =	dma.local [hbm:s3], $0xF7A  }
0x26: {  	[smem:$0x3FA0] =	sst s1;
	(tag) =	ssettag s2;
	_ =	strace s9  }
0x27: {  	s1 =	sld [smem:$0x3FB0]  }
0x28: {  	s2 =	sld [smem:$0x3FB1]  }
0x29: {  	s4 =	sld [smem:$0x3FB3]  }
0x2a: {  	p0 =	seq.s32 s5, $0x0;
	s5 =	sld [smem:$0x3FB4]  }
0x2b: {  	s6 =	sld [smem:$0x3FB5]  }
0x2c: {  	s7 =	sld [smem:$0x3FB6]  }
0x2d: {  	s3 =	simm.s32 $0x108;
	s8 =	sld [smem:$0x3FB7]  }
0x2e: {  	s3 =	simm.s32 @!p0 $0x1082;
	s9 =	sld [smem:$0x3FB8]  }
0x2f: {  	lr =	sadd.s32 s0, s3;
	s0 =	sld [smem:$0x3FAF]  }
0x30: {  	s3 =	sld [smem:$0x3FB2]  }
0x31: {  	[smem:$0x3FBB] =	sst s10  }
0x32: {  	s10 =	sld [smem:$0x3FB9];
	_ =	sdelay $0x3  }
0x33: {  	p0 =	seq.s32 s10, $0x1;
	s10 =	sld [smem:$0x3FBB];
	_ =	sdelay $0x3  }
0x34: {  	[smem:$0x3FBB] =	sst s10  }
0x35: {  	s10 =	sld [smem:$0x3FBA];
	_ =	sdelay $0x3  }
0x36: {  	p1 =	seq.s32 s10, $0x1;
	s10 =	sld [smem:$0x3FBB];
	_ =	sdelay $0x3  }
0x37: {  	[smem:$0x3FBB] =	sst s10  }
0x38: {  	s10 =	sld [smem:$0x3FBC]  }
0x39: {  	_ = 	snop;
	(pc) =	sbr.ind lr, $3  }
0x3a: {  	_ = 	snop  }
0x3b: {  	_ = 	snop  }
0x3c: {  	p2 =	seq.s32 s10, $0x1;
	s10 =	sld [smem:$0x3FBB]  }
0x3d: {  	_ =	shalt  }
0x3e: {  	_ =	shalt  }
0x3f: {  	_ =	shalt  }
0x40: {  	_ =	shalt  }
0x41: {  	_ =	shalt  }
0x42: {  	_ =	shalt  }
0x43: {  	_ =	shalt  }
0x44: {  	_ =	shalt  }
0x45: {  	_ =	shalt  }
0x46: {  	_ =	shalt  }
0x47: {  	_ =	shalt  }
0x48: {  	_ =	shalt  }
0x49: {  	_ =	shalt  }
0x4a: {  	_ =	shalt  }
0x4b: {  	_ =	shalt  }
0x4c: {  	_ =	shalt  }
0x4d: {  	_ =	shalt  }
0x4e: {  	_ =	shalt  }
0x4f: {  	_ =	shalt  }
0x50: {  	_ =	shalt  }
0x51: {  	_ =	shalt  }
0x52: {  	_ =	shalt  }
0x53: {  	_ =	shalt  }
0x54: {  	_ =	shalt  }
0x55: {  	_ =	shalt  }
0x56: {  	_ =	shalt  }
0x57: {  	_ =	shalt  }
0x58: {  	_ =	shalt  }
0x59: {  	_ =	shalt  }
0x5a: {  	_ =	shalt  }
0x5b: {  	_ =	shalt  }
0x5c: {  	_ =	shalt  }
0x5d: {  	_ =	shalt  }
0x5e: {  	_ =	shalt  }
0x5f: {  	_ =	shalt  }
0x60: {  	_ =	shalt  }
0x61: {  	_ =	shalt  }
0x62: {  	_ =	shalt  }
0x63: {  	_ =	shalt  }
0x64: {  	_ =	shalt  }
0x65: {  	_ =	shalt  }
0x66: {  	_ =	shalt  }
0x67: {  	_ =	shalt  }
0x68: {  	_ =	shalt  }
0x69: {  	_ =	shalt  }
0x6a: {  	_ =	shalt  }
0x6b: {  	_ =	shalt  }
0x6c: {  	_ =	shalt  }
0x6d: {  	_ =	shalt  }
0x6e: {  	_ =	shalt  }
0x6f: {  	_ =	shalt  }
0x70: {  	_ =	shalt  }
0x71: {  	_ =	shalt  }
0x72: {  	_ =	shalt  }
0x73: {  	_ =	shalt  }
0x74: {  	_ =	shalt  }
0x75: {  	_ =	shalt  }
0x76: {  	_ =	shalt  }
0x77: {  	_ =	shalt  }
0x78: {  	_ =	shalt  }
0x79: {  	_ =	shalt  }
0x7a: {  	_ =	shalt  }
0x7b: {  	_ =	shalt  }
0x7c: {  	_ =	shalt  }
0x7d: {  	_ =	shalt  }
0x7e: {  	_ =	shalt  }
0x7f: {  	_ =	shalt  }
0x80: {  	_ =	shalt  }
0x81: {  	_ =	shalt  }
0x82: {  	_ =	shalt  }
0x83: {  	_ =	shalt  }
0x84: {  	_ =	shalt  }
0x85: {  	_ =	shalt  }
0x86: {  	_ =	shalt  }
0x87: {  	_ =	shalt  }
.Lfunc_end0:
.L_simem_size_0:
called_computation_lowered:
.L_overlay_start_0:
0x88: {  	s2 =	sld [smem:$0x3FD9]  }
0x89: {  	s3 =	sld [smem:$0x3FFE];
	_ =	sdelay $0x1  }
0x8a: {  	s1 =	srdreg.scid  }
0x8b: {  	s0 =	sand.u32 $0x1, s1  }
0x8c: {  	s18 =	sshll.u32 s0, $0xA;
	s2 =	sadd.s32 s3, s2  }
0x8d: {  	s2 =	sadd.s32 s2, s18  }
0x8e: {  	[smem:$0x3FC7] =	sst s2  }
0x8f: {  	_ = 	snop  }
0x90: {  	s2 =	sld [smem:$0x3FC9]  }
0x91: {  	s19 =	sld [smem:$0x3FD0];
	(tm) =	ssettm $0x1  }
0x92: {  	s4 =	sld [smem:$0x3FFB];
	_ =	sdelay $0x3  }
0x93: {  	_ =	strace s4  }
0x94: {  	s4 =	sld [smem:$0x3FFC];
	_ =	sdelay $0x3  }
0x95: {  	_ =	strace s4  }
0x96: {  	s4 =	sld [smem:$0x3FFD];
	_ =	sdelay $0x3  }
0x97: {  	_ =	strace s4  }
0x98: {  	_ =	strace $0x8FFFFFFF  }
0x99: {  	s20 =	sld [smem:$0x3FDB];
	_ =	sdelay $0x1  }
0x9a: {  	s5 =	simm.s32 $_scs_section_size  }
0x9b: {  	s6 =	simm.s32 $_size__tile_overlayer_lowered;
	s7 =	simm.s32 $_tile_overlayer_lowered  }
0x9c: {  	s23 =	simm.s32 $0x1BFF;
	s22 =	sshll.u32 s7, $0x1;
	s4 =	sadd.s32 s5, s20  }
0x9d: {  	s8 =	simm.s32 $0x0;
	s21 =	sshll.u32 s6, $0x1;
	s6 =	sadd.s32 s22, s4  }
0x9e: {  	[timem:s8], [sflag:s23] =	dma.local [hbm:s6], s21  }
0x9f: {  	_ =	swait.ge [sflag:s23], s21  }
0xa0: {  	s5 =	ssub.s32 $0x0, s21;
	[sflag:s23] =	ssyncset.done $0x0  }
0xa1: {  	[sflag:s23] =	ssyncadd.s32 s5;
	_ =	sdelay $0x1  }
0xa2: {  	s24 =	simm.s32 $0x1B8B  }
0xa3: {  	_ =	swait.ge [sflag:s24], $0x1  }
0xa4: {  	[sflag:s24] =	ssyncset.done $0x0  }
0xa5: {  	s25 =	simm.s32 $0x1B8E;
	[sflag:s24] =	ssyncadd.s32 $0xFFFFFFFF  }
0xa6: {  	s26 =	simm.s32 $execute0_lowered;
	[smem:$0x3FD2] =	sst s25  }
0xa7: {  	s5 =	sshll.u32 s26, $0x1;
	_ =	strace $0x80000046;
	[dreg:$0x1] =	wrdreg $0xFFFFFFFF  }
0xa8: {  	s28 =	simm.s32 $_size_execute0_lowered;
	s4 =	sadd.s32 s4, s5;
	[dreg:$0x0] =	wrdreg $0x0  }
0xa9: {  	s5 =	sshll.u32 s28, $0x1;
	[dreg:$0x2] =	wrdreg s4  }
0xaa: {  	[dreg:$0x3] =	wrdreg s5  }
0xab: {  	[dreg:$0x4] =	wrdreg $0xC0  }
0xac: {  	_ =	task [dreg:s8], $0x5FFFF  }
0xad: {  	[dreg:$0x1] =	wrdreg $0xFFFFFFFF  }
0xae: {  	[dreg:$0x0] =	wrdreg $0x60  }
0xaf: {  	[dreg:$0x2] =	wrdreg s2  }
0xb0: {  	[dreg:$0x3] =	wrdreg s19  }
0xb1: {  	[dreg:$0x4] =	wrdreg $0x9  }
0xb2: {  	_ =	task.clear_ibuf [dreg:s8], $0x5FFFF;
	_ =	strace $0x90000046  }
0xb3: {  	s29 =	simm.s32 $0x9;
	_ =	strace $0x80000048  }
0xb4: {  	_ =	swait.ge [sflag:s29], $0x1  }
0xb5: {  	[sflag:s29] =	ssyncadd.s32 $0xFFFFFFFF  }
0xb6: {  	_ =	strace $0x90000048  }
0xb7: {  	_ =	sfence  }
0xb8: {  	s30 =	sld [smem:$0x0];
	_ =	sdelay $0x2  }
0xb9: {  	s31 =	sshll.u32 s1, $0xD;
	s1 =	sshrl.u32 s1, $0x2  }
0xba: {  	s3 =	sand.u32 $0x4000, s31;
	s1 =	sadd.s32 s1, s30  }
0xbb: {  	s0 =	sor.u32 s3, s0;
	s1 =	sshll.u32 s1, $0x11  }
0xbc: {  	s0 =	sor.u32 s1, s0  }
0xbd: {  	s0 =	sadd.s32 $0x8F2B, s0  }
0xbe: {  	[sflag:s0] =	ssyncadd.remote.s32 $0x1  }
0xbf: {  	_ =	sfence.sel $0xFFFF  }
0xc0: {  	[dreg:$0x0] =	wrdreg $0xFFFFFFFF;
	(pc) =	sbr.abs _section_cstart, $3  }
0xc1: {  	[dreg:$0x1] =	wrdreg $0xFFFFFFFF  }
0xc2: {  	_ =	task.clear_ibuf [dreg:s8], $0x2FFFF;
	_ =	strace $0x9FFFFFFF  }
0xc3: {  	(tm) =	ssettm $0x7FFFFFFF  }
tec
execute0_lowered:
.L_overlay_start_1:
0x0: {  	(tag) =	ssettag $0x1  }
0x1: {  	s1 =	rddreg [dreg:$0x0]  }
0x2: {  	s2 =	rddreg [dreg:$0x1];
	s3 =	srdreg.scid  }
0x3: {  	s0 =	rddreg [dreg:$0x2];
	s4 =	simm.s32 $0x0;
	s10 =	simm.s32 $0x8000  }
0x4: {  	s11 =	simm.s32 $0x2;
	s12 =	simm.s32 $0x3;
	s13 =	simm.s32 $0x4  }
0x5: {  	s14 =	simm.s32 $0x0;
	s5 =	sand.u32 $0x1, s3;
	s3 =	stileid.u32  }
0x6: {  	s6 =	ssub.s32 $0x2, s5;
	s5 =	sshll.u32 s5, $0x15;
	s8 =	sshll.u32 s3, $0x11  }
0x7: {  	[smem:$0x7FF] =	sst s4;
	s7 =	sshrl.u32 s6, $0x1;
	s5 =	sor.u32 s8, s5  }
0x8: {  	_ =	strace $0x80000047;
	s9 =	ssub.s32 s6, s7;
	s6 =	sadd.s32 s1, s5  }
0x9: {  	s7 =	sadd.s32 $0x2000, s1;
	s8 =	smax.u32 s9, $0x1;
	s9 =	simm.s32 $0x1  }
.LBB2_1:
0xa: {  	[tilespmem:s4], [sflag:$0x1] =	stream.linear.gather [hbm4b:s6+s4], $0x8000, $0x38;
	[tilespmem:$0x10000] =	vst v63  }
0xb: {  	s15 =	simm.s32 $0x0  }
.LBB2_2:
0xc: {  	_ =	swait.ge [sflag:s9], $0x8000;
	s16 =	simm.s32 $0x0;
	s17 =	simm.s32 $0x0  }
0xd: {  	[sflag:s9] =	ssyncset.done $0x0;
	s16 =	sand.u32 $0x180, s16;
	s17 =	sand.u32 $0x7800, s17  }
0xe: {  	[sflag:s9] =	ssyncadd.s32 $0xFFFF8000;
	s16 =	sor.u32 s16, s17  }
0xf: {  	v0 =	vld [tilespmem:s16+$0x0]  }
0x10: {  	v1 =	vld [tilespmem:s16+$0x20]  }
0x11: {  	v2 =	vld [tilespmem:s16+$0x400]  }
0x12: {  	v3 =	vld [tilespmem:s16+$0x10]  }
0x13: {  	v4 =	vld [tilespmem:s16+$0x450]  }
0x14: {  	v5 =	vld [tilespmem:s16+$0x30]  }
0x15: {  	v6 =	vld [tilespmem:s16+$0x460]  }
0x16: {  	(xrf1) =	vsort.ascd.msk.f32 $0xffff, v1, v1;
	v1 =	vld [tilespmem:s16+$0x70]  }
0x17: {  	v3 =	vsub.f32 $0.0e+00, v3;
	(xrf1) =	vsort.ascd.msk.f32 $0xffff, v0, v0;
	v0 =	vld [tilespmem:s16+$0x410]  }
0x18: {  	v7 =	vld [tilespmem:s16+$0x470];
	v4 =	vsub.f32 $0.0e+00, v4;
	(xrf1) =	vsort.ascd.msk.f32 $0xffff, v2, v2  }
0x19: {  	v5 =	vsub.f32 $0.0e+00, v5;
	v2 =	vld [tilespmem:s16+$0x50];
	(xrf1) =	vsort.ascd.msk.f32 $0xffff, v3, v3  }
0x1a: {  	v3 =	vld [tilespmem:s16+$0x440];
	(xrf1) =	vsort.ascd.msk.f32 $0xffff, v4, v4  }
0x1b: {  	v4 =	vld [tilespmem:s16+$0x430];
	(xrf1) =	vsort.ascd.msk.f32 $0xffff, v5, v5;
	v1 =	vsub.f32 $0.0e+00, v1  }
0x1c: {  	v5 =	vld [tilespmem:s16+$0x420];
	(xrf1) =	vsort.ascd.msk.f32 $0xffff, v6, v6;
	v0 =	vsub.f32 $0.0e+00, v0  }
0x1d: {  	(xrf1) =	vsort.ascd.msk.f32 $0xffff, v1, v1  }
0x1e: {  	v1 =	vsub.f32 $0.0e+00, v2;
	(xrf1) =	vsort.ascd.msk.f32 $0xffff, v0, v0  }
0x1f: {  	v0 =	vld [tilespmem:s16+$0x40];
	(xrf1) =	vsort.ascd.msk.f32 $0xffff, v3, v3  }
0x20: {  	v2 =	vsub.f32 $0.0e+00, v4;
	v3 =	vld [tilespmem:s16+$0x60];
	(xrf1) =	vsort.ascd.msk.f32 $0xffff, v1, v1;
	v1 =	vsub.f32 $0.0e+00, v7  }
0x21: {  	(xrf1) =	vsort.ascd.msk.f32 $0xffff, v5, v5  }
0x22: {  	(xrf1) =	vsort.ascd.msk.f32 $0xffff, v2, v2  }
0x23: {  	(xrf1) =	vsort.ascd.msk.f32 $0xffff, v1, v1  }
0x24: {  	v1, _, _ =	vpop (xrf1);
	(xrf1) =	vsort.ascd.msk.f32 $0xffff, v0, v0  }
0x25: {  	v0, _, _ =	vpop (xrf1);
	(xrf1) =	vsort.ascd.msk.f32 $0xffff, v3, v3  }
0x26: {  	v2, _, _ =	vpop (xrf1)  }
0x27: {  	v3, _, _ =	vpop (xrf1)  }
0x28: {  	v4, _, _ =	vpop (xrf1)  }
0x29: {  	v5, _, _ =	vpop (xrf1)  }
0x2a: {  	v6, _, _ =	vpop (xrf1)  }
0x2b: {  	v7, _, _ =	vpop (xrf1)  }
0x2c: {  	v8, _, _ =	vpop (xrf1)  }
0x2d: {  	v9, _, _ =	vpop (xrf1)  }
0x2e: {  	v10, _, _ =	vpop (xrf1)  }
0x2f: {  	v11, _, _ =	vpop (xrf1)  }
0x30: {  	v3 =	vsub.f32 $0.0e+00, v3;
	v12, _, _ =	vpop (xrf1)  }
0x31: {  	v13, _, _ =	vpop (xrf1)  }
0x32: {  	v4 =	vsub.f32 $0.0e+00, v4;
	v14 =	vmax.f32 v0, v3;
	v7 =	vsub.f32 $0.0e+00, v7;
	v15, _, _ =	vpop (xrf1)  }
0x33: {  	v0 =	vmin.f32 v0, v3;
	v5 =	vsub.f32 $0.0e+00, v5;
	(xrf1) =	vsort.ascd.msk.f32 $0xffff, v14, v14;
	v3 =	vsub.f32 $0.0e+00, v10;
	v10, _, _ =	vpop (xrf1)  }
0x34: {  	(xrf1) =	vsort.ascd.msk.f32 $0xffff, v0, v0;
	v0 =	vmax.f32 v9, v4;
	v14 =	vmax.f32 v10, v7  }
0x35: {  	v16 =	vmax.f32 v1, v5;
	(xrf1) =	vsort.ascd.msk.f32 $0xffff, v0, v0;
	v0 =	vmin.f32 v15, v3;
	v14 =	vsub.f32 $0.0e+00, v14  }
0x36: {  	s31 =	simm.s32 $0x800;
	s18 =	simm.s32 $0x8;
	v1 =	vmin.f32 v1, v5;
	v5 =	vsub.f32 $0.0e+00, v16;
	v12 =	vsub.f32 $0.0e+00, v12;
	(xrf1) =	vsort.ascd.msk.f32 $0xffff, v0, v0  }
0x37: {  	s19 =	sand.u32 $0x180, s18;
	s17 =	sand.u32 $0x7800, s31;
	v0 =	vsub.f32 $0.0e+00, v1;
	v1 =	vsub.f32 $0.0e+00, v8;
	(xrf1) =	vsort.ascd.msk.f32 $0xffff, v14, v14  }
0x38: {  	s17 =	sor.u32 s19, s17;
	v8 =	vmax.f32 v11, v12;
	(xrf1) =	vsort.ascd.msk.f32 $0xffff, v5, v5  }
0x39: {  	v11 =	vmin.f32 v11, v12;
	v8 =	vsub.f32 $0.0e+00, v8;
	v12 =	vmin.f32 v2, v1;
	v5 =	vld [tilespmem:s17+$0x20];
	(xrf1) =	vsort.ascd.msk.f32 $0xffff, v0, v0  }
0x3a: {  	v11 =	vsub.f32 $0.0e+00, v11;
	v0 =	vld [tilespmem:s17+$0x0];
	(xrf1) =	vsort.ascd.msk.f32 $0xffff, v12, v12  }
0x3b: {  	v12 =	vld [tilespmem:s17+$0x400];
	(xrf1) =	vsort.ascd.msk.f32 $0xffff, v8, v8  }
0x3c: {  	v3 =	vmax.f32 v15, v3;
	v8 =	vld [tilespmem:s17+$0x10];
	(xrf1) =	vsort.ascd.msk.f32 $0xffff, v11, v11  }
0x3d: {  	v7 =	vmin.f32 v10, v7;
	(xrf1) =	vsort.ascd.msk.f32 $0xffff, v3, v3;
	v3 =	vld [tilespmem:s17+$0x30]  }
0x3e: {  	v10 =	vld [tilespmem:s17+$0x450];
	v1 =	vmax.f32 v2, v1;
	(xrf1) =	vsort.ascd.msk.f32 $0xffff, v5, v5;
	v5 =	vsub.f32 $0.0e+00, v7  }
0x3f: {  	(xrf1) =	vsort.ascd.msk.f32 $0xffff, v1, v1  }
0x40: {  	(xrf1) =	vsort.ascd.msk.f32 $0xffff, v5, v5  }
0x41: {  	v11 =	vld [tilespmem:s17+$0x70];
	v5 =	vsub.f32 $0.0e+00, v8;
	(xrf1) =	vsort.ascd.msk.f32 $0xffff, v0, v0  }
0x42: {  	v2, _, _ =	vpop (xrf1);
	v1 =	vld [tilespmem:s17+$0x460];
	(xrf1) =	vsort.ascd.msk.f32 $0xffff, v12, v12;
	v3 =	vsub.f32 $0.0e+00, v3  }
0x43: {  	v7, _, _ =	vpop (xrf1);
	v8 =	vsub.f32 $0.0e+00, v13;
	v0 =	vsub.f32 $0.0e+00, v10;
	(xrf1) =	vsort.ascd.msk.f32 $0xffff, v5, v5;
	v5 =	vld [tilespmem:s17+$0x410]  }
0x44: {  	v10, _, _ =	vpop (xrf1)  }
0x45: {  	v12, _, _ =	vpop (xrf1);
	(xrf1) =	vsort.ascd.msk.f32 $0xffff, v0, v0;
	v0 =	vmin.f32 v6, v8;
	v6 =	vmax.f32 v6, v8;
	v8 =	vld [tilespmem:s17+$0x50]  }
0x46: {  	(xrf1) =	vsort.ascd.msk.f32 $0xffff, v3, v3;
	v3, _, _ =	vpop (xrf1)  }
0x47: {  	v4 =	vmin.f32 v9, v4;
	v13 =	vld [tilespmem:s17+$0x430];
	v11 =	vsub.f32 $0.0e+00, v11;
	v0 =	vsub.f32 $0.0e+00, v0;
	(xrf1) =	vsort.ascd.msk.f32 $0xffff, v1, v1;
	v9, _, _ =	vpop (xrf1)  }
0x48: {  	v1 =	vsub.f32 $0.0e+00, v6;
	v6 =	vld [tilespmem:s17+$0x440];
	(xrf1) =	vsort.ascd.msk.f32 $0xffff, v4, v4;
	v14, _, _ =	vpop (xrf1);
	v5 =	vsub.f32 $0.0e+00, v5  }
0x49: {  	v4 =	vld [tilespmem:s17+$0x470];
	(xrf1) =	vsort.ascd.msk.f32 $0xffff, v0, v0;
	v15, _, _ =	vpop (xrf1)  }
0x4a: {  	v0 =	vld [tilespmem:s17+$0x420];
	(xrf1) =	vsort.ascd.msk.f32 $0xffff, v1, v1;
	v8 =	vsub.f32 $0.0e+00, v8;
	v16, _, _ =	vpop (xrf1)  }
0x4b: {  	(xrf1) =	vsort.ascd.msk.f32 $0xffff, v11, v11;
	v11, _, _ =	vpop (xrf1)  }
0x4c: {  	v9 =	vsub.f32 $0.0e+00, v9;
	(xrf1) =	vsort.ascd.msk.f32 $0xffff, v5, v5;
	v5, _, _ =	vpop (xrf1)  }
0x4d: {  	v14 =	vsub.f32 $0.0e+00, v14;
	(xrf1) =	vsort.ascd.msk.f32 $0xffff, v6, v6;
	v1, _, _ =	vpop (xrf1)  }
0x4e: {  	v13 =	vsub.f32 $0.0e+00, v13;
	v20 =	vmin.f32 v7, v9;
	v16 =	vsub.f32 $0.0e+00, v16;
	v6 =	vld [tilespmem:s17+$0x40];
	(xrf1) =	vsort.ascd.msk.f32 $0xffff, v8, v8;
	v8, _, _ =	vpop (xrf1)  }
0x4f: {  	v19 =	vmin.f32 v2, v14;
	v4 =	vsub.f32 $0.0e+00, v4;
	v11 =	vsub.f32 $0.0e+00, v11;
	(xrf1) =	vsort.ascd.msk.f32 $0xffff, v0, v0;
	v17, _, _ =	vpop (xrf1)  }
0x50: {  	v18 =	vld [tilespmem:s17+$0x60];
	v22 =	vmin.f32 v20, v19;
	(xrf1) =	vsort.ascd.msk.f32 $0xffff, v13, v13;
	v13 =	vmax.f32 v15, v16;
	v21, _, _ =	vpop (xrf1)  }
0x51: {  	(xrf1) =	vsort.ascd.msk.f32 $0xffff, v4, v4;
	v4 =	vmin.f32 v15, v16;
	v15 =	vmin.f32 v8, v11;
	v0, _, _ =	vpop (xrf1)  }
0x52: {  	v8 =	vmax.f32 v8, v11;
	v11 =	vmax.f32 v20, v19;
	(xrf1) =	vsort.ascd.msk.f32 $0xffff, v22, v22;
	v16, _, _ =	vpop (xrf1)  }
0x53: {  	(xrf1) =	vsort.ascd.msk.f32 $0xffff, v6, v6;
	v6 =	vmin.f32 v4, v15;
	v4 =	vmax.f32 v4, v15;
	v15 =	vsub.f32 $0.0e+00, v16  }
0x54: {  	v19, _, _ =	vpop (xrf1);
	(xrf1) =	vsort.ascd.msk.f32 $0xffff, v11, v11  }
0x55: {  	v7 =	vmax.f32 v7, v9;
	v16, _, _ =	vpop (xrf1);
	(xrf1) =	vsort.ascd.msk.f32 $0xffff, v18, v18;
	v9 =	vmax.f32 v21, v15  }
0x56: {  	v2 =	vmax.f32 v2, v14;
	v17 =	vsub.f32 $0.0e+00, v17;
	v11 =	vmin.f32 v13, v8;
	v18, _, _ =	vpop (xrf1);
	(xrf1) =	vsort.ascd.msk.f32 $0xffff, v6, v6  }
0x57: {  	v14 =	vmin.f32 v7, v2;
	v2 =	vmax.f32 v7, v2;
	v62, _, _ =	vpop (xrf1);
	(xrf1) =	vsort.ascd.msk.f32 $0xffff, v9, v9  }
0x58: {  	v3 =	vsub.f32 $0.0e+00, v3;
	v61 =	vmax.f32 v5, v17;
	v6 =	vmin.f32 v21, v15;
	(xrf1) =	vsort.ascd.msk.f32 $0xffff, v11, v11;
	v9, _, _ =	vpop (xrf1)  }
0x59: {  	v5 =	vmin.f32 v5, v17;
	v8 =	vmax.f32 v13, v8;
	(xrf1) =	vsort.ascd.msk.f32 $0xffff, v14, v14;
	v11, _, _ =	vpop (xrf1);
	v9 =	vsub.f32 $0.0e+00, v9  }
0x5a: {  	v13 =	vmin.f32 v12, v3;
	v3 =	vmax.f32 v12, v3;
	(xrf1) =	vsort.ascd.msk.f32 $0xffff, v6, v6;
	v15, _, _ =	vpop (xrf1)  }
0x5b: {  	v12 =	vmax.f32 v3, v61;
	v23 =	vmin.f32 v13, v5;
	v14 =	vsub.f32 $0.0e+00, v11;
	(xrf1) =	vsort.ascd.msk.f32 $0xffff, v4, v4;
	v6, _, _ =	vpop (xrf1)  }
0x5c: {  	v17 =	vmax.f32 v10, v9;
	v4 =	vmin.f32 v10, v9;
	(xrf1) =	vsort.ascd.msk.f32 $0xffff, v2, v2;
	v63, _, _ =	vpop (xrf1)  }
0x5d: {  	v10 =	vmax.f32 v13, v5;
	v2 =	vmin.f32 v62, v14;
	(xrf1) =	vsort.ascd.msk.f32 $0xffff, v8, v8;
	v9, _, _ =	vpop (xrf1)  }
0x5e: {  	v8 =	vmax.f32 v62, v14;
	v5 =	vmin.f32 v2, v4;
	(xrf1) =	vsort.ascd.msk.f32 $0xffff, v12, v12;
	v7, _, _ =	vpop (xrf1)  }
0x5f: {  	v13 =	vsub.f32 $0.0e+00, v19;
	v12 =	vmin.f32 v3, v61;
	v19 =	vmin.f32 v8, v17;
	(xrf1) =	vsort.ascd.msk.f32 $0xffff, v5, v5;
	v11, _, _ =	vpop (xrf1)  }
0x60: {  	v3 =	vsub.f32 $0.0e+00, v9;
	v9 =	vmax.f32 v2, v4;
	v2 =	vmax.f32 v8, v17;
	(xrf1) =	vsort.ascd.msk.f32 $0xffff, v19, v19;
	v14, _, _ =	vpop (xrf1)  }
0x61: {  	v17 =	vmax.f32 v63, v13;
	(xrf1) =	vsort.ascd.msk.f32 $0xffff, v2, v2;
	v4, _, _ =	vpop (xrf1)  }
0x62: {  	v5 =	vsub.f32 $0.0e+00, v14;
	(xrf1) =	vsort.ascd.msk.f32 $0xffff, v17, v17;
	v14, _, _ =	vpop (xrf1)  }
0x63: {  	v19 =	vsub.f32 $0.0e+00, v15;
	v15 =	vsub.f32 $0.0e+00, v16;
	v2 =	vmin.f32 v63, v13;
	(xrf1) =	vsort.ascd.msk.f32 $0xffff, v9, v9;
	v13, _, _ =	vpop (xrf1)  }
0x64: {  	[tilespmem:s16+$0x0] =	vst v4;
	v8 =	vmax.f32 v14, v3;
	v4 =	vmin.f32 v18, v5;
	v5 =	vmax.f32 v18, v5;
	v17, _, _ =	vpop (xrf1)  }
0x65: {  	s20 =	simm.s32 $0x4000;
	s19 =	simm.s32 $0x4;
	(xrf1) =	vsort.ascd.msk.f32 $0xffff, v23, v23;
	[tilespmem:s16+$0x10] =	vst v13;
	v9 =	vmin.f32 v17, v19;
	v16 =	vmax.f32 v17, v19;
	v13, _, _ =	vpop (xrf1)  }
.LBB2_3:
0x66: {  	s21 =	sshrl.u32 s20, $0x2;
	s19 =	sadd.s32 $0x4, s19;
	v14 =	vmin.f32 v14, v3;
	s18 =	sadd.s32 $0x8, s18;
	v3, _, _ =	vpop (xrf1);
	[tilespmem:s16+$0x400] =	vst v13;
	(xrf1) =	vsort.ascd.msk.f32 $0xffff, v12, v12  }
0x67: {  	v13 =	vsub.f32 $0.0e+00, v16;
	s22 =	sand.u32 $0x180, s18;
	s21 =	sand.u32 $0x7800, s21;
	p0 =	slt.u32 s19, $0xFC;
	v12 =	vmin.f32 v1, v15;
	v1 =	vmax.f32 v1, v15;
	(xrf1) =	vsort.ascd.msk.f32 $0xffff, v10, v10;
	v10, _, _ =	vpop (xrf1)  }
0x68: {  	v11 =	vsub.f32 $0.0e+00, v11;
	s21 =	sor.u32 s22, s21;
	v16 =	vsub.f32 $0.0e+00, v1;
	(xrf1) =	vsort.ascd.msk.f32 $0xffff, v14, v14;
	[tilespmem:s16+$0x420] =	vst v10;
	v10, _, _ =	vpop (xrf1)  }
0x69: {  	v15 =	vsub.f32 $0.0e+00, v6;
	v12 =	vsub.f32 $0.0e+00, v12;
	v14 =	vld [tilespmem:s21+$0x0];
	v6, _, _ =	vpop (xrf1);
	(xrf1) =	vsort.ascd.msk.f32 $0xffff, v13, v13;
	[tilespmem:s16+$0x20] =	vst v10  }
0x6a: {  	v13 =	vmin.f32 v7, v11;
	v7 =	vmax.f32 v7, v11;
	v10 =	vld [tilespmem:s21+$0x20];
	(xrf1) =	vsort.ascd.msk.f32 $0xffff, v16, v16;
	v1, _, _ =	vpop (xrf1)  }
0x6b: {  	v16 =	vmin.f32 v0, v15;
	v7 =	vsub.f32 $0.0e+00, v7;
	v11 =	vld [tilespmem:s21+$0x400];
	(xrf1) =	vsort.ascd.msk.f32 $0xffff, v12, v12;
	[tilespmem:s16+$0x410] =	vst v1;
	v1, _, _ =	vpop (xrf1)  }
0x6c: {  	v13 =	vsub.f32 $0.0e+00, v13;
	v12 =	vld [tilespmem:s21+$0x10];
	(xrf1) =	vsort.ascd.msk.f32 $0xffff, v16, v16;
	[tilespmem:s16+$0x30] =	vst v1;
	v1, _, _ =	vpop (xrf1)  }
0x6d: {  	v16 =	vld [tilespmem:s21+$0x30];
	(xrf1) =	vsort.ascd.msk.f32 $0xffff, v7, v7;
	[tilespmem:s16+$0x430] =	vst v1;
	v1, _, _ =	vpop (xrf1)  }
0x6e: {  	v17 =	vld [tilespmem:s21+$0x470];
	(xrf1) =	vsort.ascd.msk.f32 $0xffff, v13, v13;
	[tilespmem:s16+$0x70] =	vst v1;
	v1, _, _ =	vpop (xrf1)  }
0x6f: {  	v13 =	vld [tilespmem:s21+$0x450];
	(xrf1) =	vsort.ascd.msk.f32 $0xffff, v8, v8;
	v7, _, _ =	vpop (xrf1)  }
0x70: {  	v9 =	vsub.f32 $0.0e+00, v9;
	v0 =	vmax.f32 v0, v15;
	v8 =	vld [tilespmem:s21+$0x430];
	(xrf1) =	vsort.ascd.msk.f32 $0xffff, v10, v10;
	[tilespmem:s16+$0x460] =	vst v7;
	v10, _, _ =	vpop (xrf1)  }
0x71: {  	v15 =	vld [tilespmem:s21+$0x50];
	(xrf1) =	vsort.ascd.msk.f32 $0xffff, v0, v0;
	v7, _, _ =	vpop (xrf1);
	[tilespmem:s16+$0x470] =	vst v10  }
0x72: {  	v0 =	vld [tilespmem:s21+$0x460];
	(xrf1) =	vsort.ascd.msk.f32 $0xffff, v9, v9;
	[tilespmem:s16+$0x440] =	vst v1;
	v1, _, _ =	vpop (xrf1)  }
0x73: {  	v18 =	vsub.f32 $0.0e+00, v12;
	v10 =	vld [tilespmem:s21+$0x40];
	(xrf1) =	vsort.ascd.msk.f32 $0xffff, v14, v14;
	[tilespmem:s16+$0x450] =	vst v1;
	v1, _, _ =	vpop (xrf1)  }
0x74: {  	v12 =	vld [tilespmem:s21+$0x410];
	v13 =	vsub.f32 $0.0e+00, v13;
	(xrf1) =	vsort.ascd.msk.f32 $0xffff, v11, v11;
	[tilespmem:s16+$0x40] =	vst v1;
	v1, _, _ =	vpop (xrf1)  }
0x75: {  	v11 =	vsub.f32 $0.0e+00, v16;
	v14 =	vld [tilespmem:s21+$0x70];
	(xrf1) =	vsort.ascd.msk.f32 $0xffff, v18, v18;
	[tilespmem:s16+$0x60] =	vst v1;
	v1, _, _ =	vpop (xrf1)  }
0x76: {  	v5 =	vsub.f32 $0.0e+00, v5;
	v4 =	vsub.f32 $0.0e+00, v4;
	(xrf1) =	vsort.ascd.msk.f32 $0xffff, v13, v13;
	v9, _, _ =	vpop (xrf1);
	[tilespmem:s16+$0x50] =	vst v1;
	s16 =	smov.u32 s17;
	s17 =	smov.u32 s21  }
0x77: {  	v16 =	vsub.f32 $0.0e+00, v17;
	v13 =	vsub.f32 $0.0e+00, v15;
	v15 =	vld [tilespmem:s17+$0x420];
	(xrf1) =	vsort.ascd.msk.f32 $0xffff, v11, v11;
	v1, _, _ =	vpop (xrf1)  }
0x78: {  	v8 =	vsub.f32 $0.0e+00, v8;
	v11 =	vld [tilespmem:s17+$0x440];
	(xrf1) =	vsort.ascd.msk.f32 $0xffff, v0, v0;
	v17 =	vsub.f32 $0.0e+00, v1;
	v0, _, _ =	vpop (xrf1)  }
0x79: {  	v18 =	vld [tilespmem:s17+$0x60];
	v1 =	vsub.f32 $0.0e+00, v12;
	v12 =	vsub.f32 $0.0e+00, v0;
	v0, _, _ =	vpop (xrf1);
	(xrf1) =	vsort.ascd.msk.f32 $0xffff, v2, v2  }
0x7a: {  	v2 =	vsub.f32 $0.0e+00, v14;
	v14 =	vsub.f32 $0.0e+00, v0;
	v0, _, _ =	vpop (xrf1);
	(xrf1) =	vsort.ascd.msk.f32 $0xffff, v4, v4  }
0x7b: {  	v4, _, _ =	vpop (xrf1);
	(xrf1) =	vsort.ascd.msk.f32 $0xffff, v5, v5  }
0x7c: {  	(xrf1) =	vsort.ascd.msk.f32 $0xffff, v2, v2;
	v2 =	vmin.f32 v3, v14;
	v4 =	vsub.f32 $0.0e+00, v4;
	v5, _, _ =	vpop (xrf1)  }
0x7d: {  	(xrf1) =	vsort.ascd.msk.f32 $0xffff, v1, v1;
	v19, _, _ =	vpop (xrf1)  }
0x7e: {  	v5 =	vsub.f32 $0.0e+00, v5;
	v1, _, _ =	vpop (xrf1);
	(xrf1) =	vsort.ascd.msk.f32 $0xffff, v11, v11;
	v11 =	vmin.f32 v6, v12;
	v20 =	vmax.f32 v0, v4  }
0x7f: {  	(xrf1) =	vsort.ascd.msk.f32 $0xffff, v13, v13;
	v13 =	vmin.f32 v11, v2;
	v21, _, _ =	vpop (xrf1)  }
0x80: {  	v4 =	vmin.f32 v0, v4;
	(xrf1) =	vsort.ascd.msk.f32 $0xffff, v15, v15;
	v15 =	vmin.f32 v21, v5;
	v0, _, _ =	vpop (xrf1)  }
0x81: {  	v5 =	vmax.f32 v21, v5;
	v22, _, _ =	vpop (xrf1);
	(xrf1) =	vsort.ascd.msk.f32 $0xffff, v8, v8;
	v8 =	vsub.f32 $0.0e+00, v0;
	v21 =	vmin.f32 v4, v15  }
0x82: {  	v4 =	vmax.f32 v4, v15;
	v15 =	vmin.f32 v20, v5;
	v0, _, _ =	vpop (xrf1);
	(xrf1) =	vsort.ascd.msk.f32 $0xffff, v16, v16  }
0x83: {  	v2 =	vmax.f32 v11, v2;
	v16, _, _ =	vpop (xrf1);
	v11 =	vmax.f32 v19, v8;
	(xrf1) =	vsort.ascd.msk.f32 $0xffff, v13, v13  }
0x84: {  	v13 =	vsub.f32 $0.0e+00, v16;
	(xrf1) =	vsort.ascd.msk.f32 $0xffff, v10, v10;
	v10, _, _ =	vpop (xrf1)  }
0x85: {  	v3 =	vmax.f32 v3, v14;
	v6 =	vmax.f32 v6, v12;
	v16, _, _ =	vpop (xrf1);
	(xrf1) =	vsort.ascd.msk.f32 $0xffff, v2, v2  }
0x86: {  	v12 =	vmin.f32 v6, v3;
	v2 =	vmin.f32 v22, v13;
	(xrf1) =	vsort.ascd.msk.f32 $0xffff, v18, v18;
	v18, _, _ =	vpop (xrf1)  }
0x87: {  	v22 =	vmax.f32 v22, v13;
	(xrf1) =	vsort.ascd.msk.f32 $0xffff, v21, v21;
	v14, _, _ =	vpop (xrf1)  }
0x88: {  	v5 =	vmax.f32 v20, v5;
	(xrf1) =	vsort.ascd.msk.f32 $0xffff, v22, v22;
	v13, _, _ =	vpop (xrf1)  }
0x89: {  	v20 =	vmin.f32 v9, v17;
	v9 =	vmax.f32 v9, v17;
	v13 =	vsub.f32 $0.0e+00, v13;
	(xrf1) =	vsort.ascd.msk.f32 $0xffff, v15, v15;
	v15, _, _ =	vpop (xrf1)  }
0x8a: {  	v3 =	vmax.f32 v6, v3;
	v21 =	vmax.f32 v9, v11;
	v17, _, _ =	vpop (xrf1);
	v15 =	vsub.f32 $0.0e+00, v15;
	(xrf1) =	vsort.ascd.msk.f32 $0xffff, v12, v12  }
0x8b: {  	(xrf1) =	vsort.ascd.msk.f32 $0xffff, v2, v2;
	v6, _, _ =	vpop (xrf1);
	v2 =	vmin.f32 v19, v8;
	v8 =	vmax.f32 v7, v13  }
0x8c: {  	v13 =	vmin.f32 v7, v13;
	v19, _, _ =	vpop (xrf1);
	v22 =	vmin.f32 v20, v2;
	(xrf1) =	vsort.ascd.msk.f32 $0xffff, v4, v4  }
0x8d: {  	v4 =	vsub.f32 $0.0e+00, v10;
	v10 =	vmax.f32 v20, v2;
	v2 =	vmin.f32 v14, v15;
	v23, _, _ =	vpop (xrf1);
	(xrf1) =	vsort.ascd.msk.f32 $0xffff, v3, v3  }
0x8e: {  	v12 =	vmin.f32 v9, v11;
	v9 =	vmin.f32 v2, v13;
	v7, _, _ =	vpop (xrf1);
	(xrf1) =	vsort.ascd.msk.f32 $0xffff, v5, v5  }
0x8f: {  	v13 =	vmax.f32 v2, v13;
	v3 =	vsub.f32 $0.0e+00, v23;
	v5 =	vmax.f32 v14, v15;
	v11, _, _ =	vpop (xrf1);
	(xrf1) =	vsort.ascd.msk.f32 $0xffff, v21, v21  }
0x90: {  	v20 =	vmin.f32 v5, v8;
	v5 =	vmax.f32 v5, v8;
	v2, _, _ =	vpop (xrf1);
	(xrf1) =	vsort.ascd.msk.f32 $0xffff, v9, v9  }
.Ltmp0:
0x91: {  	v21 =	vmax.f32 v19, v4;
	v9 =	vsub.f32 $0.0e+00, v2;
	v2, _, _ =	vpop (xrf1);
	(xrf1) =	vsort.ascd.msk.f32 $0xffff, v20, v20;
	(pc) =	sbr.rel @p0 .LBB2_3-.Ltmp0, $4  }
0x92: {  	v17 =	vsub.f32 $0.0e+00, v17;
	v14, _, _ =	vpop (xrf1);
	[tilespmem:s16+$0x0] =	vst v2;
	(xrf1) =	vsort.ascd.msk.f32 $0xffff, v5, v5  }
0x93: {  	v2 =	vmin.f32 v19, v4;
	v8 =	vmax.f32 v14, v3;
	(xrf1) =	vsort.ascd.msk.f32 $0xffff, v21, v21;
	v15, _, _ =	vpop (xrf1)  }
0x94: {  	v4 =	vmin.f32 v18, v9;
	v5 =	vmax.f32 v18, v9;
	v18, _, _ =	vpop (xrf1);
	[tilespmem:s16+$0x10] =	vst v15;
	(xrf1) =	vsort.ascd.msk.f32 $0xffff, v13, v13  }
0x95: {  	s20 =	sadd.s32 $0x2000, s20;
	v15 =	vsub.f32 $0.0e+00, v16;
	v9 =	vmin.f32 v18, v17;
	v16 =	vmax.f32 v18, v17;
	(xrf1) =	vsort.ascd.msk.f32 $0xffff, v22, v22;
	v13, _, _ =	vpop (xrf1)  }
0x96: {  	v3 =	vmin.f32 v14, v3  }
0x97: {  	v17, _, _ =	vpop (xrf1);
	(xrf1) =	vsort.ascd.msk.f32 $0xffff, v12, v12;
	v14 =	vsub.f32 $0.0e+00, v16;
	v12 =	vmax.f32 v1, v15  }
0x98: {  	v11 =	vsub.f32 $0.0e+00, v11;
	(xrf1) =	vsort.ascd.msk.f32 $0xffff, v10, v10;
	v10, _, _ =	vpop (xrf1);
	v1 =	vmin.f32 v1, v15;
	v12 =	vsub.f32 $0.0e+00, v12  }
0x99: {  	v6 =	vsub.f32 $0.0e+00, v6;
	(xrf1) =	vsort.ascd.msk.f32 $0xffff, v3, v3;
	v1 =	vsub.f32 $0.0e+00, v1;
	v3, _, _ =	vpop (xrf1)  }
0x9a: {  	v15, _, _ =	vpop (xrf1);
	(xrf1) =	vsort.ascd.msk.f32 $0xffff, v14, v14;
	v14 =	vmax.f32 v7, v11  }
0x9b: {  	v7 =	vmin.f32 v7, v11;
	v11 =	vmin.f32 v0, v6;
	(xrf1) =	vsort.ascd.msk.f32 $0xffff, v12, v12;
	v14 =	vsub.f32 $0.0e+00, v14  }
0x9c: {  	v7 =	vsub.f32 $0.0e+00, v7;
	v12, _, _ =	vpop (xrf1);
	(xrf1) =	vsort.ascd.msk.f32 $0xffff, v1, v1  }
0x9d: {  	v1, _, _ =	vpop (xrf1);
	(xrf1) =	vsort.ascd.msk.f32 $0xffff, v11, v11  }
0x9e: {  	v11, _, _ =	vpop (xrf1);
	(xrf1) =	vsort.ascd.msk.f32 $0xffff, v14, v14  }
0x9f: {  	v14, _, _ =	vpop (xrf1);
	(xrf1) =	vsort.ascd.msk.f32 $0xffff, v7, v7  }
0xa0: {  	v0 =	vmax.f32 v0, v6;
	v7, _, _ =	vpop (xrf1);
	(xrf1) =	vsort.ascd.msk.f32 $0xffff, v8, v8  }
0xa1: {  	v8, _, _ =	vpop (xrf1);
	(xrf1) =	vsort.ascd.msk.f32 $0xffff, v0, v0;
	v0 =	vsub.f32 $0.0e+00, v9  }
0xa2: {  	v6, _, _ =	vpop (xrf1)  }
0xa3: {  	v9, _, _ =	vpop (xrf1)  }
0xa4: {  	v4 =	vsub.f32 $0.0e+00, v4;
	v16, _, _ =	vpop (xrf1)  }
0xa5: {  	v5 =	vsub.f32 $0.0e+00, v5;
	(xrf1) =	vsort.ascd.msk.f32 $0xffff, v0, v0;
	v0, _, _ =	vpop (xrf1)  }
0xa6: {  	v18, _, _ =	vpop (xrf1)  }
0xa7: {  	(xrf1) =	vsort.ascd.msk.f32 $0xffff, v2, v2;
	v2, _, _ =	vpop (xrf1)  }
0xa8: {  	(xrf1) =	vsort.ascd.msk.f32 $0xffff, v4, v4;
	v4, _, _ =	vpop (xrf1)  }
0xa9: {  	(xrf1) =	vsort.ascd.msk.f32 $0xffff, v5, v5;
	v5, _, _ =	vpop (xrf1)  }
0xaa: {  	v19, _, _ =	vpop (xrf1)  }
0xab: {  	v20, _, _ =	vpop (xrf1)  }
0xac: {  	v21, _, _ =	vpop (xrf1)  }
0xad: {  	v19 =	vsub.f32 $0.0e+00, v19;
	v20 =	vsub.f32 $0.0e+00, v20;
	v22, _, _ =	vpop (xrf1)  }
0xae: {  	v22 =	vsub.f32 $0.0e+00, v22;
	v23, _, _ =	vpop (xrf1)  }
0xaf: {  	[tilespmem:s16+$0x400] =	vst v13;
	v25 =	vmin.f32 v15, v19;
	v13 =	vmin.f32 v17, v20;
	v24, _, _ =	vpop (xrf1);
	v23 =	vsub.f32 $0.0e+00, v23  }
0xb0: {  	[tilespmem:s16+$0x420] =	vst v10;
	v10 =	vmin.f32 v25, v13;
	v13 =	vmax.f32 v25, v13;
	v26 =	vmax.f32 v21, v22;
	v27, _, _ =	vpop (xrf1)  }
0xb1: {  	v21 =	vmin.f32 v21, v22;
	(xrf1) =	vsort.ascd.msk.f32 $0xffff, v10, v10;
	v54 =	vmin.f32 v27, v23  }
0xb2: {  	[tilespmem:s16+$0x20] =	vst v3;
	v3 =	vmax.f32 v27, v23;
	(xrf1) =	vsort.ascd.msk.f32 $0xffff, v13, v13;
	v13 =	vmin.f32 v21, v54  }
0xb3: {  	v10 =	vmax.f32 v15, v19;
	v15 =	vmax.f32 v17, v20;
	v17 =	vmin.f32 v26, v3  }
0xb4: {  	[tilespmem:s16+$0x410] =	vst v12;
	v12, _, _ =	vpop (xrf1);
	(xrf1) =	vsort.ascd.msk.f32 $0xffff, v13, v13  }
0xb5: {  	v5 =	vsub.f32 $0.0e+00, v5;
	v20 =	vmin.f32 v10, v15;
	(xrf1) =	vsort.ascd.msk.f32 $0xffff, v17, v17;
	v13, _, _ =	vpop (xrf1)  }
0xb6: {  	v10 =	vmax.f32 v10, v15;
	v12 =	vsub.f32 $0.0e+00, v12;
	v19 =	vmax.f32 v21, v54;
	(xrf1) =	vsort.ascd.msk.f32 $0xffff, v20, v20;
	v17, _, _ =	vpop (xrf1)  }
0xb7: {  	[tilespmem:s16+$0x30] =	vst v1;
	v15 =	vmax.f32 v4, v5;
	v3 =	vmax.f32 v26, v3;
	(xrf1) =	vsort.ascd.msk.f32 $0xffff, v19, v19;
	v56, _, _ =	vpop (xrf1)  }
0xb8: {  	v55 =	vmax.f32 v24, v12;
	v17 =	vsub.f32 $0.0e+00, v17;
	(xrf1) =	vsort.ascd.msk.f32 $0xffff, v10, v10;
	v20 =	vsub.f32 $0.0e+00, v56  }
0xb9: {  	[tilespmem:s16+$0x430] =	vst v11;
	v1 =	vmax.f32 v15, v55;
	(xrf1) =	vsort.ascd.msk.f32 $0xffff, v3, v3  }
0xba: {  	[tilespmem:s16+$0x70] =	vst v14;
	v19 =	vmax.f32 v9, v17;
	v9 =	vmin.f32 v9, v17;
	v10 =	vmin.f32 v13, v20  }
0xbb: {  	[tilespmem:s16+$0x440] =	vst v7;
	(xrf1) =	vsort.ascd.msk.f32 $0xffff, v1, v1;
	v11 =	vmax.f32 v13, v20;
	v3 =	vmin.f32 v10, v9  }
0xbc: {  	[tilespmem:s16+$0x460] =	vst v8;
	v1 =	vmin.f32 v11, v19;
	(xrf1) =	vsort.ascd.msk.f32 $0xffff, v3, v3  }
0xbd: {  	[tilespmem:s16+$0x470] =	vst v6;
	v3 =	vmax.f32 v11, v19;
	(xrf1) =	vsort.ascd.msk.f32 $0xffff, v1, v1;
	v1 =	vmin.f32 v4, v5  }
0xbe: {  	[tilespmem:s16+$0x450] =	vst v16;
	v4 =	vmax.f32 v10, v9;
	(xrf1) =	vsort.ascd.msk.f32 $0xffff, v3, v3;
	v3 =	vmin.f32 v24, v12  }
0xbf: {  	[tilespmem:s16+$0x40] =	vst v0;
	v0 =	vmin.f32 v1, v3;
	(xrf1) =	vsort.ascd.msk.f32 $0xffff, v4, v4  }
0xc0: {  	[tilespmem:s16+$0x60] =	vst v18;
	v4 =	vmin.f32 v15, v55;
	(xrf1) =	vsort.ascd.msk.f32 $0xffff, v0, v0  }
0xc1: {  	[tilespmem:s16+$0x50] =	vst v2;
	v5, _, _ =	vpop (xrf1);
	v0 =	vmax.f32 v1, v3;
	(xrf1) =	vsort.ascd.msk.f32 $0xffff, v4, v4  }
0xc2: {  	[tilespmem:s17+$0x0] =	vst v5;
	v1, _, _ =	vpop (xrf1);
	(xrf1) =	vsort.ascd.msk.f32 $0xffff, v0, v0  }
0xc3: {  	v2, _, _ =	vpop (xrf1);
	[tilespmem:s17+$0x10] =	vst v1  }
0xc4: {  	[tilespmem:s17+$0x400] =	vst v2;
	v0, _, _ =	vpop (xrf1)  }
0xc5: {  	v1, _, _ =	vpop (xrf1);
	[tilespmem:s17+$0x420] =	vst v0  }
0xc6: {  	v0, _, _ =	vpop (xrf1);
	[tilespmem:s17+$0x20] =	vst v1  }
0xc7: {  	v1, _, _ =	vpop (xrf1);
	[tilespmem:s17+$0x410] =	vst v0  }
0xc8: {  	v0, _, _ =	vpop (xrf1);
	[tilespmem:s17+$0x30] =	vst v1  }
0xc9: {  	v1, _, _ =	vpop (xrf1);
	[tilespmem:s17+$0x430] =	vst v0  }
0xca: {  	[tilespmem:s17+$0x70] =	vst v1;
	v0, _, _ =	vpop (xrf1)  }
0xcb: {  	v1, _, _ =	vpop (xrf1);
	[tilespmem:s17+$0x440] =	vst v0  }
0xcc: {  	[tilespmem:s17+$0x460] =	vst v1;
	v1, _, _ =	vpop (xrf1)  }
0xcd: {  	[tilespmem:s17+$0x470] =	vst v1;
	v0, _, _ =	vpop (xrf1)  }
0xce: {  	[tilespmem:s17+$0x450] =	vst v0;
	v0, _, _ =	vpop (xrf1)  }
0xcf: {  	[tilespmem:s17+$0x40] =	vst v0;
	v0, _, _ =	vpop (xrf1)  }
0xd0: {  	p0 =	seq.s32 s15, $0x0;
	[tilespmem:s17+$0x60] =	vst v0;
	v0, _, _ =	vpop (xrf1)  }
0xd1: {  	s28 =	sshll.u32 s15, $0xD;
	s30 =	simm.s32 $0x200;
	s18 =	simm.s32 @!p0 $0x4;
	[tilespmem:s17+$0x50] =	vst v0  }
0xd2: {  	s19 =	simm.s32 $0x20000;
	s17 =	sadd.s32 s5, s28;
	_ =	swait.ge @!p0 [sflag:s18], $0x8000  }
0xd3: {  	s19 =	sand.u32 $0x7800, s19;
	s16 =	sor.u32 $0x1000, s17;
	[sflag:s18] =	ssyncset.done @!p0 $0x0  }
0xd4: {  	s29 =	sadd.s32 s1, s16;
	[sflag:s18] =	ssyncadd.s32 @!p0 $0xFFFF8000;
	s18 =	sand.u32 $0x380, s30  }
0xd5: {  	[tilespmem:s10], [sflag:$0x2] =	stream.linear.gather [hbm4b:s29+s4], $0x8000, $0x38;
	[tilespmem:$0x10000] =	vst v63  }
0xd6: {  	s18 =	sor.u32 s18, s19  }
0xd7: {  	v0 =	vld [tilespmem:s18+$0x0]  }
0xd8: {  	v1 =	vld [tilespmem:s18+$0x20]  }
0xd9: {  	v2 =	vld [tilespmem:s18+$0x400]  }
0xda: {  	v3 =	vld [tilespmem:s18+$0x10]  }
0xdb: {  	v4 =	vld [tilespmem:s18+$0x450]  }
0xdc: {  	v5 =	vld [tilespmem:s18+$0x30]  }
0xdd: {  	v6 =	vld [tilespmem:s18+$0x460]  }
0xde: {  	(xrf1) =	vsort.ascd.msk.f32 $0xffff, v1, v1;
	v1 =	vld [tilespmem:s18+$0x70]  }
0xdf: {  	v3 =	vsub.f32 $0.0e+00, v3;
	(xrf1) =	vsort.ascd.msk.f32 $0xffff, v0, v0;
	v0 =	vld [tilespmem:s18+$0x410]  }
0xe0: {  	v7 =	vld [tilespmem:s18+$0x470];
	v4 =	vsub.f32 $0.0e+00, v4;
	(xrf1) =	vsort.ascd.msk.f32 $0xffff, v2, v2  }
0xe1: {  	v5 =	vsub.f32 $0.0e+00, v5;
	v2 =	vld [tilespmem:s18+$0x50];
	(xrf1) =	vsort.ascd.msk.f32 $0xffff, v3, v3  }
0xe2: {  	v3 =	vld [tilespmem:s18+$0x440];
	(xrf1) =	vsort.ascd.msk.f32 $0xffff, v4, v4  }
0xe3: {  	v4 =	vld [tilespmem:s18+$0x430];
	(xrf1) =	vsort.ascd.msk.f32 $0xffff, v5, v5;
	v1 =	vsub.f32 $0.0e+00, v1  }
0xe4: {  	v5 =	vld [tilespmem:s18+$0x420];
	(xrf1) =	vsort.ascd.msk.f32 $0xffff, v6, v6;
	v0 =	vsub.f32 $0.0e+00, v0  }
0xe5: {  	(xrf1) =	vsort.ascd.msk.f32 $0xffff, v1, v1  }
0xe6: {  	v1 =	vsub.f32 $0.0e+00, v2;
	(xrf1) =	vsort.ascd.msk.f32 $0xffff, v0, v0  }
0xe7: {  	v0 =	vld [tilespmem:s18+$0x40];
	(xrf1) =	vsort.ascd.msk.f32 $0xffff, v3, v3  }
0xe8: {  	v2 =	vsub.f32 $0.0e+00, v4;
	v3 =	vld [tilespmem:s18+$0x60];
	(xrf1) =	vsort.ascd.msk.f32 $0xffff, v1, v1;
	v1 =	vsub.f32 $0.0e+00, v7  }
0xe9: {  	(xrf1) =	vsort.ascd.msk.f32 $0xffff, v5, v5  }
0xea: {  	(xrf1) =	vsort.ascd.msk.f32 $0xffff, v2, v2  }
0xeb: {  	(xrf1) =	vsort.ascd.msk.f32 $0xffff, v1, v1  }
0xec: {  	v1, _, _ =	vpop (xrf1);
	(xrf1) =	vsort.ascd.msk.f32 $0xffff, v0, v0  }
0xed: {  	v0, _, _ =	vpop (xrf1);
	(xrf1) =	vsort.ascd.msk.f32 $0xffff, v3, v3  }
0xee: {  	v2, _, _ =	vpop (xrf1)  }
0xef: {  	v3, _, _ =	vpop (xrf1)  }
0xf0: {  	v4, _, _ =	vpop (xrf1)  }
0xf1: {  	v5, _, _ =	vpop (xrf1)  }
0xf2: {  	v6, _, _ =	vpop (xrf1)  }
0xf3: {  	v7, _, _ =	vpop (xrf1)  }
0xf4: {  	v8, _, _ =	vpop (xrf1)  }
0xf5: {  	v9, _, _ =	vpop (xrf1)  }
0xf6: {  	v10, _, _ =	vpop (xrf1)  }
0xf7: {  	v11, _, _ =	vpop (xrf1)  }
0xf8: {  	v3 =	vsub.f32 $0.0e+00, v3;
	v12, _, _ =	vpop (xrf1)  }
0xf9: {  	v13, _, _ =	vpop (xrf1)  }
0xfa: {  	v4 =	vsub.f32 $0.0e+00, v4;
	v14 =	vmax.f32 v0, v3;
	v7 =	vsub.f32 $0.0e+00, v7;
	v15, _, _ =	vpop (xrf1)  }
0xfb: {  	v0 =	vmin.f32 v0, v3;
	v5 =	vsub.f32 $0.0e+00, v5;
	(xrf1) =	vsort.ascd.msk.f32 $0xffff, v14, v14;
	v3 =	vsub.f32 $0.0e+00, v10;
	v10, _, _ =	vpop (xrf1)  }
0xfc: {  	(xrf1) =	vsort.ascd.msk.f32 $0xffff, v0, v0;
	v0 =	vmax.f32 v9, v4;
	v14 =	vmax.f32 v10, v7  }
0xfd: {  	v16 =	vmax.f32 v1, v5;
	(xrf1) =	vsort.ascd.msk.f32 $0xffff, v0, v0;
	v0 =	vmin.f32 v15, v3;
	v14 =	vsub.f32 $0.0e+00, v14  }
0xfe: {  	s31 =	simm.s32 $0x20800;
	s20 =	simm.s32 $0x208;
	v1 =	vmin.f32 v1, v5;
	v5 =	vsub.f32 $0.0e+00, v16;
	v12 =	vsub.f32 $0.0e+00, v12;
	(xrf1) =	vsort.ascd.msk.f32 $0xffff, v0, v0  }
0xff: {  	s21 =	sand.u32 $0x380, s20;
	s19 =	sand.u32 $0x7800, s31;
	v0 =	vsub.f32 $0.0e+00, v1;
	v1 =	vsub.f32 $0.0e+00, v8;
	(xrf1) =	vsort.ascd.msk.f32 $0xffff, v14, v14  }
0x100: {  	s19 =	sor.u32 s21, s19;
	v8 =	vmax.f32 v11, v12;
	(xrf1) =	vsort.ascd.msk.f32 $0xffff, v5, v5  }
0x101: {  	v11 =	vmin.f32 v11, v12;
	v8 =	vsub.f32 $0.0e+00, v8;
	v12 =	vmin.f32 v2, v1;
	v5 =	vld [tilespmem:s19+$0x20];
	(xrf1) =	vsort.ascd.msk.f32 $0xffff, v0, v0  }
0x102: {  	v11 =	vsub.f32 $0.0e+00, v11;
	v0 =	vld [tilespmem:s19+$0x0];
	(xrf1) =	vsort.ascd.msk.f32 $0xffff, v12, v12  }
0x103: {  	v12 =	vld [tilespmem:s19+$0x400];
	(xrf1) =	vsort.ascd.msk.f32 $0xffff, v8, v8  }
0x104: {  	v3 =	vmax.f32 v15, v3;
	v8 =	vld [tilespmem:s19+$0x10];
	(xrf1) =	vsort.ascd.msk.f32 $0xffff, v11, v11  }
0x105: {  	v7 =	vmin.f32 v10, v7;
	(xrf1) =	vsort.ascd.msk.f32 $0xffff, v3, v3;
	v3 =	vld [tilespmem:s19+$0x30]  }
0x106: {  	v10 =	vld [tilespmem:s19+$0x450];
	v1 =	vmax.f32 v2, v1;
	(xrf1) =	vsort.ascd.msk.f32 $0xffff, v5, v5;
	v5 =	vsub.f32 $0.0e+00, v7  }
0x107: {  	(xrf1) =	vsort.ascd.msk.f32 $0xffff, v1, v1  }
0x108: {  	(xrf1) =	vsort.ascd.msk.f32 $0xffff, v5, v5  }
0x109: {  	v11 =	vld [tilespmem:s19+$0x70];
	v5 =	vsub.f32 $0.0e+00, v8;
	(xrf1) =	vsort.ascd.msk.f32 $0xffff, v0, v0  }
0x10a: {  	v2, _, _ =	vpop (xrf1);
	v1 =	vld [tilespmem:s19+$0x460];
	(xrf1) =	vsort.ascd.msk.f32 $0xffff, v12, v12;
	v3 =	vsub.f32 $0.0e+00, v3  }
0x10b: {  	v7, _, _ =	vpop (xrf1);
	v8 =	vsub.f32 $0.0e+00, v13;
	v0 =	vsub.f32 $0.0e+00, v10;
	(xrf1) =	vsort.ascd.msk.f32 $0xffff, v5, v5;
	v5 =	vld [tilespmem:s19+$0x410]  }
0x10c: {  	v10, _, _ =	vpop (xrf1)  }
0x10d: {  	v12, _, _ =	vpop (xrf1);
	(xrf1) =	vsort.ascd.msk.f32 $0xffff, v0, v0;
	v0 =	vmin.f32 v6, v8;
	v6 =	vmax.f32 v6, v8;
	v8 =	vld [tilespmem:s19+$0x50]  }
0x10e: {  	(xrf1) =	vsort.ascd.msk.f32 $0xffff, v3, v3;
	v3, _, _ =	vpop (xrf1)  }
0x10f: {  	v4 =	vmin.f32 v9, v4;
	v13 =	vld [tilespmem:s19+$0x430];
	v11 =	vsub.f32 $0.0e+00, v11;
	v0 =	vsub.f32 $0.0e+00, v0;
	(xrf1) =	vsort.ascd.msk.f32 $0xffff, v1, v1;
	v9, _, _ =	vpop (xrf1)  }
0x110: {  	v1 =	vsub.f32 $0.0e+00, v6;
	v6 =	vld [tilespmem:s19+$0x440];
	(xrf1) =	vsort.ascd.msk.f32 $0xffff, v4, v4;
	v14, _, _ =	vpop (xrf1);
	v5 =	vsub.f32 $0.0e+00, v5  }
0x111: {  	v4 =	vld [tilespmem:s19+$0x470];
	(xrf1) =	vsort.ascd.msk.f32 $0xffff, v0, v0;
	v15, _, _ =	vpop (xrf1)  }
0x112: {  	v0 =	vld [tilespmem:s19+$0x420];
	(xrf1) =	vsort.ascd.msk.f32 $0xffff, v1, v1;
	v8 =	vsub.f32 $0.0e+00, v8;
	v16, _, _ =	vpop (xrf1)  }
0x113: {  	(xrf1) =	vsort.ascd.msk.f32 $0xffff, v11, v11;
	v11, _, _ =	vpop (xrf1)  }
0x114: {  	v9 =	vsub.f32 $0.0e+00, v9;
	(xrf1) =	vsort.ascd.msk.f32 $0xffff, v5, v5;
	v5, _, _ =	vpop (xrf1)  }
0x115: {  	v14 =	vsub.f32 $0.0e+00, v14;
	(xrf1) =	vsort.ascd.msk.f32 $0xffff, v6, v6;
	v1, _, _ =	vpop (xrf1)  }
0x116: {  	v13 =	vsub.f32 $0.0e+00, v13;
	v57 =	vmin.f32 v7, v9;
	v16 =	vsub.f32 $0.0e+00, v16;
	v6 =	vld [tilespmem:s19+$0x40];
	(xrf1) =	vsort.ascd.msk.f32 $0xffff, v8, v8;
	v8, _, _ =	vpop (xrf1)  }
0x117: {  	v19 =	vmin.f32 v2, v14;
	v4 =	vsub.f32 $0.0e+00, v4;
	v11 =	vsub.f32 $0.0e+00, v11;
	(xrf1) =	vsort.ascd.msk.f32 $0xffff, v0, v0;
	v17, _, _ =	vpop (xrf1)  }
0x118: {  	v18 =	vld [tilespmem:s19+$0x60];
	v59 =	vmin.f32 v57, v19;
	(xrf1) =	vsort.ascd.msk.f32 $0xffff, v13, v13;
	v13 =	vmax.f32 v15, v16;
	v58, _, _ =	vpop (xrf1)  }
0x119: {  	(xrf1) =	vsort.ascd.msk.f32 $0xffff, v4, v4;
	v4 =	vmin.f32 v15, v16;
	v15 =	vmin.f32 v8, v11;
	v0, _, _ =	vpop (xrf1)  }
0x11a: {  	v8 =	vmax.f32 v8, v11;
	v11 =	vmax.f32 v57, v19;
	(xrf1) =	vsort.ascd.msk.f32 $0xffff, v59, v59;
	v16, _, _ =	vpop (xrf1)  }
0x11b: {  	(xrf1) =	vsort.ascd.msk.f32 $0xffff, v6, v6;
	v6 =	vmin.f32 v4, v15;
	v4 =	vmax.f32 v4, v15;
	v15 =	vsub.f32 $0.0e+00, v16  }
0x11c: {  	v19, _, _ =	vpop (xrf1);
	(xrf1) =	vsort.ascd.msk.f32 $0xffff, v11, v11  }
0x11d: {  	v7 =	vmax.f32 v7, v9;
	v16, _, _ =	vpop (xrf1);
	(xrf1) =	vsort.ascd.msk.f32 $0xffff, v18, v18;
	v9 =	vmax.f32 v58, v15  }
0x11e: {  	v2 =	vmax.f32 v2, v14;
	v17 =	vsub.f32 $0.0e+00, v17;
	v11 =	vmin.f32 v13, v8;
	v18, _, _ =	vpop (xrf1);
	(xrf1) =	vsort.ascd.msk.f32 $0xffff, v6, v6  }
0x11f: {  	v14 =	vmin.f32 v7, v2;
	v2 =	vmax.f32 v7, v2;
	v61, _, _ =	vpop (xrf1);
	(xrf1) =	vsort.ascd.msk.f32 $0xffff, v9, v9  }
0x120: {  	v3 =	vsub.f32 $0.0e+00, v3;
	v60 =	vmax.f32 v5, v17;
	v6 =	vmin.f32 v58, v15;
	(xrf1) =	vsort.ascd.msk.f32 $0xffff, v11, v11;
	v9, _, _ =	vpop (xrf1)  }
0x121: {  	v5 =	vmin.f32 v5, v17;
	v8 =	vmax.f32 v13, v8;
	(xrf1) =	vsort.ascd.msk.f32 $0xffff, v14, v14;
	v11, _, _ =	vpop (xrf1);
	v9 =	vsub.f32 $0.0e+00, v9  }
0x122: {  	v13 =	vmin.f32 v12, v3;
	v3 =	vmax.f32 v12, v3;
	(xrf1) =	vsort.ascd.msk.f32 $0xffff, v6, v6;
	v15, _, _ =	vpop (xrf1)  }
0x123: {  	v12 =	vmax.f32 v3, v60;
	v63 =	vmin.f32 v13, v5;
	v14 =	vsub.f32 $0.0e+00, v11;
	(xrf1) =	vsort.ascd.msk.f32 $0xffff, v4, v4;
	v6, _, _ =	vpop (xrf1)  }
0x124: {  	v17 =	vmax.f32 v10, v9;
	v4 =	vmin.f32 v10, v9;
	(xrf1) =	vsort.ascd.msk.f32 $0xffff, v2, v2;
	v62, _, _ =	vpop (xrf1)  }
0x125: {  	v10 =	vmax.f32 v13, v5;
	v2 =	vmin.f32 v61, v14;
	(xrf1) =	vsort.ascd.msk.f32 $0xffff, v8, v8;
	v9, _, _ =	vpop (xrf1)  }
0x126: {  	v8 =	vmax.f32 v61, v14;
	v5 =	vmin.f32 v2, v4;
	(xrf1) =	vsort.ascd.msk.f32 $0xffff, v12, v12;
	v7, _, _ =	vpop (xrf1)  }
0x127: {  	v13 =	vsub.f32 $0.0e+00, v19;
	v12 =	vmin.f32 v3, v60;
	v19 =	vmin.f32 v8, v17;
	(xrf1) =	vsort.ascd.msk.f32 $0xffff, v5, v5;
	v11, _, _ =	vpop (xrf1)  }
0x128: {  	v3 =	vsub.f32 $0.0e+00, v9;
	v9 =	vmax.f32 v2, v4;
	v2 =	vmax.f32 v8, v17;
	(xrf1) =	vsort.ascd.msk.f32 $0xffff, v19, v19;
	v14, _, _ =	vpop (xrf1)  }
0x129: {  	v17 =	vmax.f32 v62, v13;
	(xrf1) =	vsort.ascd.msk.f32 $0xffff, v2, v2;
	v4, _, _ =	vpop (xrf1)  }
0x12a: {  	v5 =	vsub.f32 $0.0e+00, v14;
	(xrf1) =	vsort.ascd.msk.f32 $0xffff, v17, v17;
	v14, _, _ =	vpop (xrf1)  }
0x12b: {  	v19 =	vsub.f32 $0.0e+00, v15;
	v15 =	vsub.f32 $0.0e+00, v16;
	v2 =	vmin.f32 v62, v13;
	(xrf1) =	vsort.ascd.msk.f32 $0xffff, v9, v9;
	v13, _, _ =	vpop (xrf1)  }
0x12c: {  	[tilespmem:s18+$0x0] =	vst v4;
	v8 =	vmax.f32 v14, v3;
	v4 =	vmin.f32 v18, v5;
	v5 =	vmax.f32 v18, v5;
	v17, _, _ =	vpop (xrf1)  }
0x12d: {  	s22 =	simm.s32 $0x84000;
	s21 =	simm.s32 $0x104;
	(xrf1) =	vsort.ascd.msk.f32 $0xffff, v63, v63;
	[tilespmem:s18+$0x10] =	vst v13;
	v9 =	vmin.f32 v17, v19;
	v16 =	vmax.f32 v17, v19;
	v13, _, _ =	vpop (xrf1)  }
.LBB2_5:
0x12e: {  	s23 =	sshrl.u32 s22, $0x2;
	s21 =	sadd.s32 $0x4, s21;
	v14 =	vmin.f32 v14, v3;
	s20 =	sadd.s32 $0x8, s20;
	v3, _, _ =	vpop (xrf1);
	[tilespmem:s18+$0x400] =	vst v13;
	(xrf1) =	vsort.ascd.msk.f32 $0xffff, v12, v12  }
0x12f: {  	v13 =	vsub.f32 $0.0e+00, v16;
	s24 =	sand.u32 $0x380, s20;
	s23 =	sand.u32 $0x7800, s23;
	p0 =	slt.u32 s21, $0x1FC;
	v12 =	vmin.f32 v1, v15;
	v1 =	vmax.f32 v1, v15;
	(xrf1) =	vsort.ascd.msk.f32 $0xffff, v10, v10;
	v10, _, _ =	vpop (xrf1)  }
0x130: {  	v11 =	vsub.f32 $0.0e+00, v11;
	s23 =	sor.u32 s24, s23;
	v16 =	vsub.f32 $0.0e+00, v1;
	(xrf1) =	vsort.ascd.msk.f32 $0xffff, v14, v14;
	[tilespmem:s18+$0x420] =	vst v10;
	v10, _, _ =	vpop (xrf1)  }
0x131: {  	v15 =	vsub.f32 $0.0e+00, v6;
	v12 =	vsub.f32 $0.0e+00, v12;
	v14 =	vld [tilespmem:s23+$0x0];
	v6, _, _ =	vpop (xrf1);
	(xrf1) =	vsort.ascd.msk.f32 $0xffff, v13, v13;
	[tilespmem:s18+$0x20] =	vst v10  }
0x132: {  	v13 =	vmin.f32 v7, v11;
	v7 =	vmax.f32 v7, v11;
	v10 =	vld [tilespmem:s23+$0x20];
	(xrf1) =	vsort.ascd.msk.f32 $0xffff, v16, v16;
	v1, _, _ =	vpop (xrf1)  }
0x133: {  	v16 =	vmin.f32 v0, v15;
	v7 =	vsub.f32 $0.0e+00, v7;
	v11 =	vld [tilespmem:s23+$0x400];
	(xrf1) =	vsort.ascd.msk.f32 $0xffff, v12, v12;
	[tilespmem:s18+$0x410] =	vst v1;
	v1, _, _ =	vpop (xrf1)  }
0x134: {  	v13 =	vsub.f32 $0.0e+00, v13;
	v12 =	vld [tilespmem:s23+$0x10];
	(xrf1) =	vsort.ascd.msk.f32 $0xffff, v16, v16;
	[tilespmem:s18+$0x30] =	vst v1;
	v1, _, _ =	vpop (xrf1)  }
0x135: {  	v16 =	vld [tilespmem:s23+$0x30];
	(xrf1) =	vsort.ascd.msk.f32 $0xffff, v7, v7;
	[tilespmem:s18+$0x430] =	vst v1;
	v1, _, _ =	vpop (xrf1)  }
0x136: {  	v17 =	vld [tilespmem:s23+$0x470];
	(xrf1) =	vsort.ascd.msk.f32 $0xffff, v13, v13;
	[tilespmem:s18+$0x70] =	vst v1;
	v1, _, _ =	vpop (xrf1)  }
0x137: {  	v13 =	vld [tilespmem:s23+$0x450];
	(xrf1) =	vsort.ascd.msk.f32 $0xffff, v8, v8;
	v7, _, _ =	vpop (xrf1)  }
0x138: {  	v9 =	vsub.f32 $0.0e+00, v9;
	v0 =	vmax.f32 v0, v15;
	v8 =	vld [tilespmem:s23+$0x430];
	(xrf1) =	vsort.ascd.msk.f32 $0xffff, v10, v10;
	[tilespmem:s18+$0x460] =	vst v7;
	v10, _, _ =	vpop (xrf1)  }
0x139: {  	v15 =	vld [tilespmem:s23+$0x50];
	(xrf1) =	vsort.ascd.msk.f32 $0xffff, v0, v0;
	v7, _, _ =	vpop (xrf1);
	[tilespmem:s18+$0x470] =	vst v10  }
0x13a: {  	v0 =	vld [tilespmem:s23+$0x460];
	(xrf1) =	vsort.ascd.msk.f32 $0xffff, v9, v9;
	[tilespmem:s18+$0x440] =	vst v1;
	v1, _, _ =	vpop (xrf1)  }
0x13b: {  	v18 =	vsub.f32 $0.0e+00, v12;
	v10 =	vld [tilespmem:s23+$0x40];
	(xrf1) =	vsort.ascd.msk.f32 $0xffff, v14, v14;
	[tilespmem:s18+$0x450] =	vst v1;
	v1, _, _ =	vpop (xrf1)  }
0x13c: {  	v12 =	vld [tilespmem:s23+$0x410];
	v13 =	vsub.f32 $0.0e+00, v13;
	(xrf1) =	vsort.ascd.msk.f32 $0xffff, v11, v11;
	[tilespmem:s18+$0x40] =	vst v1;
	v1, _, _ =	vpop (xrf1)  }
0x13d: {  	v11 =	vsub.f32 $0.0e+00, v16;
	v14 =	vld [tilespmem:s23+$0x70];
	(xrf1) =	vsort.ascd.msk.f32 $0xffff, v18, v18;
	[tilespmem:s18+$0x60] =	vst v1;
	v1, _, _ =	vpop (xrf1)  }
0x13e: {  	v5 =	vsub.f32 $0.0e+00, v5;
	v4 =	vsub.f32 $0.0e+00, v4;
	(xrf1) =	vsort.ascd.msk.f32 $0xffff, v13, v13;
	v9, _, _ =	vpop (xrf1);
	[tilespmem:s18+$0x50] =	vst v1;
	s18 =	smov.u32 s19;
	s19 =	smov.u32 s23  }
0x13f: {  	v16 =	vsub.f32 $0.0e+00, v17;
	v13 =	vsub.f32 $0.0e+00, v15;
	v15 =	vld [tilespmem:s19+$0x420];
	(xrf1) =	vsort.ascd.msk.f32 $0xffff, v11, v11;
	v1, _, _ =	vpop (xrf1)  }
0x140: {  	v8 =	vsub.f32 $0.0e+00, v8;
	v11 =	vld [tilespmem:s19+$0x440];
	(xrf1) =	vsort.ascd.msk.f32 $0xffff, v0, v0;
	v17 =	vsub.f32 $0.0e+00, v1;
	v0, _, _ =	vpop (xrf1)  }
0x141: {  	v18 =	vld [tilespmem:s19+$0x60];
	v1 =	vsub.f32 $0.0e+00, v12;
	v12 =	vsub.f32 $0.0e+00, v0;
	v0, _, _ =	vpop (xrf1);
	(xrf1) =	vsort.ascd.msk.f32 $0xffff, v2, v2  }
0x142: {  	v2 =	vsub.f32 $0.0e+00, v14;
	v14 =	vsub.f32 $0.0e+00, v0;
	v0, _, _ =	vpop (xrf1);
	(xrf1) =	vsort.ascd.msk.f32 $0xffff, v4, v4  }
0x143: {  	v4, _, _ =	vpop (xrf1);
	(xrf1) =	vsort.ascd.msk.f32 $0xffff, v5, v5  }
0x144: {  	(xrf1) =	vsort.ascd.msk.f32 $0xffff, v2, v2;
	v2 =	vmin.f32 v3, v14;
	v4 =	vsub.f32 $0.0e+00, v4;
	v5, _, _ =	vpop (xrf1)  }
0x145: {  	(xrf1) =	vsort.ascd.msk.f32 $0xffff, v1, v1;
	v19, _, _ =	vpop (xrf1)  }
0x146: {  	v5 =	vsub.f32 $0.0e+00, v5;
	v1, _, _ =	vpop (xrf1);
	(xrf1) =	vsort.ascd.msk.f32 $0xffff, v11, v11;
	v11 =	vmin.f32 v6, v12;
	v20 =	vmax.f32 v0, v4  }
0x147: {  	(xrf1) =	vsort.ascd.msk.f32 $0xffff, v13, v13;
	v13 =	vmin.f32 v11, v2;
	v21, _, _ =	vpop (xrf1)  }
0x148: {  	v4 =	vmin.f32 v0, v4;
	(xrf1) =	vsort.ascd.msk.f32 $0xffff, v15, v15;
	v15 =	vmin.f32 v21, v5;
	v0, _, _ =	vpop (xrf1)  }
0x149: {  	v5 =	vmax.f32 v21, v5;
	v22, _, _ =	vpop (xrf1);
	(xrf1) =	vsort.ascd.msk.f32 $0xffff, v8, v8;
	v8 =	vsub.f32 $0.0e+00, v0;
	v21 =	vmin.f32 v4, v15  }
0x14a: {  	v4 =	vmax.f32 v4, v15;
	v15 =	vmin.f32 v20, v5;
	v0, _, _ =	vpop (xrf1);
	(xrf1) =	vsort.ascd.msk.f32 $0xffff, v16, v16  }
0x14b: {  	v2 =	vmax.f32 v11, v2;
	v16, _, _ =	vpop (xrf1);
	v11 =	vmax.f32 v19, v8;
	(xrf1) =	vsort.ascd.msk.f32 $0xffff, v13, v13  }
0x14c: {  	v13 =	vsub.f32 $0.0e+00, v16;
	(xrf1) =	vsort.ascd.msk.f32 $0xffff, v10, v10;
	v10, _, _ =	vpop (xrf1)  }
0x14d: {  	v3 =	vmax.f32 v3, v14;
	v6 =	vmax.f32 v6, v12;
	v16, _, _ =	vpop (xrf1);
	(xrf1) =	vsort.ascd.msk.f32 $0xffff, v2, v2  }
0x14e: {  	v12 =	vmin.f32 v6, v3;
	v2 =	vmin.f32 v22, v13;
	(xrf1) =	vsort.ascd.msk.f32 $0xffff, v18, v18;
	v18, _, _ =	vpop (xrf1)  }
0x14f: {  	v22 =	vmax.f32 v22, v13;
	(xrf1) =	vsort.ascd.msk.f32 $0xffff, v21, v21;
	v14, _, _ =	vpop (xrf1)  }
0x150: {  	v5 =	vmax.f32 v20, v5;
	(xrf1) =	vsort.ascd.msk.f32 $0xffff, v22, v22;
	v13, _, _ =	vpop (xrf1)  }
0x151: {  	v20 =	vmin.f32 v9, v17;
	v9 =	vmax.f32 v9, v17;
	v13 =	vsub.f32 $0.0e+00, v13;
	(xrf1) =	vsort.ascd.msk.f32 $0xffff, v15, v15;
	v15, _, _ =	vpop (xrf1)  }
0x152: {  	v3 =	vmax.f32 v6, v3;
	v21 =	vmax.f32 v9, v11;
	v17, _, _ =	vpop (xrf1);
	v15 =	vsub.f32 $0.0e+00, v15;
	(xrf1) =	vsort.ascd.msk.f32 $0xffff, v12, v12  }
0x153: {  	(xrf1) =	vsort.ascd.msk.f32 $0xffff, v2, v2;
	v6, _, _ =	vpop (xrf1);
	v2 =	vmin.f32 v19, v8;
	v8 =	vmax.f32 v7, v13  }
0x154: {  	v13 =	vmin.f32 v7, v13;
	v19, _, _ =	vpop (xrf1);
	v22 =	vmin.f32 v20, v2;
	(xrf1) =	vsort.ascd.msk.f32 $0xffff, v4, v4  }
0x155: {  	v4 =	vsub.f32 $0.0e+00, v10;
	v10 =	vmax.f32 v20, v2;
	v2 =	vmin.f32 v14, v15;
	v23, _, _ =	vpop (xrf1);
	(xrf1) =	vsort.ascd.msk.f32 $0xffff, v3, v3  }
0x156: {  	v12 =	vmin.f32 v9, v11;
	v9 =	vmin.f32 v2, v13;
	v7, _, _ =	vpop (xrf1);
	(xrf1) =	vsort.ascd.msk.f32 $0xffff, v5, v5  }
0x157: {  	v13 =	vmax.f32 v2, v13;
	v3 =	vsub.f32 $0.0e+00, v23;
	v5 =	vmax.f32 v14, v15;
	v11, _, _ =	vpop (xrf1);
	(xrf1) =	vsort.ascd.msk.f32 $0xffff, v21, v21  }
0x158: {  	v20 =	vmin.f32 v5, v8;
	v5 =	vmax.f32 v5, v8;
	v2, _, _ =	vpop (xrf1);
	(xrf1) =	vsort.ascd.msk.f32 $0xffff, v9, v9  }
.Ltmp1:
0x159: {  	v21 =	vmax.f32 v19, v4;
	v9 =	vsub.f32 $0.0e+00, v2;
	v2, _, _ =	vpop (xrf1);
	(xrf1) =	vsort.ascd.msk.f32 $0xffff, v20, v20;
	(pc) =	sbr.rel @p0 .LBB2_5-.Ltmp1, $4  }
0x15a: {  	v17 =	vsub.f32 $0.0e+00, v17;
	v14, _, _ =	vpop (xrf1);
	[tilespmem:s18+$0x0] =	vst v2;
	(xrf1) =	vsort.ascd.msk.f32 $0xffff, v5, v5  }
0x15b: {  	v2 =	vmin.f32 v19, v4;
	v8 =	vmax.f32 v14, v3;
	(xrf1) =	vsort.ascd.msk.f32 $0xffff, v21, v21;
	v15, _, _ =	vpop (xrf1)  }
0x15c: {  	v4 =	vmin.f32 v18, v9;
	v5 =	vmax.f32 v18, v9;
	v18, _, _ =	vpop (xrf1);
	[tilespmem:s18+$0x10] =	vst v15;
	(xrf1) =	vsort.ascd.msk.f32 $0xffff, v13, v13  }
0x15d: {  	s22 =	sadd.s32 $0x2000, s22;
	v15 =	vsub.f32 $0.0e+00, v16;
	v9 =	vmin.f32 v18, v17;
	v16 =	vmax.f32 v18, v17;
	(xrf1) =	vsort.ascd.msk.f32 $0xffff, v22, v22;
	v13, _, _ =	vpop (xrf1)  }
0x15e: {  	v3 =	vmin.f32 v14, v3  }
0x15f: {  	v17, _, _ =	vpop (xrf1);
	(xrf1) =	vsort.ascd.msk.f32 $0xffff, v12, v12;
	v14 =	vsub.f32 $0.0e+00, v16;
	v12 =	vmax.f32 v1, v15  }
0x160: {  	v11 =	vsub.f32 $0.0e+00, v11;
	(xrf1) =	vsort.ascd.msk.f32 $0xffff, v10, v10;
	v10, _, _ =	vpop (xrf1);
	v1 =	vmin.f32 v1, v15;
	v12 =	vsub.f32 $0.0e+00, v12  }
0x161: {  	v6 =	vsub.f32 $0.0e+00, v6;
	(xrf1) =	vsort.ascd.msk.f32 $0xffff, v3, v3;
	v1 =	vsub.f32 $0.0e+00, v1;
	v3, _, _ =	vpop (xrf1)  }
0x162: {  	v15, _, _ =	vpop (xrf1);
	(xrf1) =	vsort.ascd.msk.f32 $0xffff, v14, v14;
	v14 =	vmax.f32 v7, v11  }
0x163: {  	v7 =	vmin.f32 v7, v11;
	v11 =	vmin.f32 v0, v6;
	(xrf1) =	vsort.ascd.msk.f32 $0xffff, v12, v12;
	v14 =	vsub.f32 $0.0e+00, v14  }
0x164: {  	v7 =	vsub.f32 $0.0e+00, v7;
	v12, _, _ =	vpop (xrf1);
	(xrf1) =	vsort.ascd.msk.f32 $0xffff, v1, v1  }
0x165: {  	v1, _, _ =	vpop (xrf1);
	(xrf1) =	vsort.ascd.msk.f32 $0xffff, v11, v11  }
0x166: {  	v11, _, _ =	vpop (xrf1);
	(xrf1) =	vsort.ascd.msk.f32 $0xffff, v14, v14  }
0x167: {  	v14, _, _ =	vpop (xrf1);
	(xrf1) =	vsort.ascd.msk.f32 $0xffff, v7, v7  }
0x168: {  	v0 =	vmax.f32 v0, v6;
	v7, _, _ =	vpop (xrf1);
	(xrf1) =	vsort.ascd.msk.f32 $0xffff, v8, v8  }
0x169: {  	v8, _, _ =	vpop (xrf1);
	(xrf1) =	vsort.ascd.msk.f32 $0xffff, v0, v0;
	v0 =	vsub.f32 $0.0e+00, v9  }
0x16a: {  	v6, _, _ =	vpop (xrf1)  }
0x16b: {  	v9, _, _ =	vpop (xrf1)  }
0x16c: {  	v4 =	vsub.f32 $0.0e+00, v4;
	v16, _, _ =	vpop (xrf1)  }
0x16d: {  	v5 =	vsub.f32 $0.0e+00, v5;
	(xrf1) =	vsort.ascd.msk.f32 $0xffff, v0, v0;
	v0, _, _ =	vpop (xrf1)  }
0x16e: {  	v18, _, _ =	vpop (xrf1)  }
0x16f: {  	(xrf1) =	vsort.ascd.msk.f32 $0xffff, v2, v2;
	v2, _, _ =	vpop (xrf1)  }
0x170: {  	(xrf1) =	vsort.ascd.msk.f32 $0xffff, v4, v4;
	v4, _, _ =	vpop (xrf1)  }
0x171: {  	(xrf1) =	vsort.ascd.msk.f32 $0xffff, v5, v5;
	v5, _, _ =	vpop (xrf1)  }
0x172: {  	v19, _, _ =	vpop (xrf1)  }
0x173: {  	v20, _, _ =	vpop (xrf1)  }
0x174: {  	v21, _, _ =	vpop (xrf1)  }
0x175: {  	v19 =	vsub.f32 $0.0e+00, v19;
	v20 =	vsub.f32 $0.0e+00, v20;
	v22, _, _ =	vpop (xrf1)  }
0x176: {  	v22 =	vsub.f32 $0.0e+00, v22;
	v23, _, _ =	vpop (xrf1)  }
0x177: {  	[tilespmem:s18+$0x400] =	vst v13;
	v25 =	vmin.f32 v15, v19;
	v13 =	vmin.f32 v17, v20;
	v24, _, _ =	vpop (xrf1);
	v23 =	vsub.f32 $0.0e+00, v23  }
0x178: {  	[tilespmem:s18+$0x420] =	vst v10;
	v10 =	vmin.f32 v25, v13;
	v13 =	vmax.f32 v25, v13;
	v26 =	vmax.f32 v21, v22;
	v27, _, _ =	vpop (xrf1)  }
0x179: {  	v21 =	vmin.f32 v21, v22;
	(xrf1) =	vsort.ascd.msk.f32 $0xffff, v10, v10;
	v54 =	vmin.f32 v27, v23  }
0x17a: {  	[tilespmem:s18+$0x20] =	vst v3;
	v3 =	vmax.f32 v27, v23;
	(xrf1) =	vsort.ascd.msk.f32 $0xffff, v13, v13;
	v13 =	vmin.f32 v21, v54  }
0x17b: {  	v10 =	vmax.f32 v15, v19;
	v15 =	vmax.f32 v17, v20;
	v17 =	vmin.f32 v26, v3  }
0x17c: {  	[tilespmem:s18+$0x410] =	vst v12;
	v12, _, _ =	vpop (xrf1);
	(xrf1) =	vsort.ascd.msk.f32 $0xffff, v13, v13  }
0x17d: {  	v5 =	vsub.f32 $0.0e+00, v5;
	v20 =	vmin.f32 v10, v15;
	(xrf1) =	vsort.ascd.msk.f32 $0xffff, v17, v17;
	v13, _, _ =	vpop (xrf1)  }
0x17e: {  	v10 =	vmax.f32 v10, v15;
	v12 =	vsub.f32 $0.0e+00, v12;
	v19 =	vmax.f32 v21, v54;
	(xrf1) =	vsort.ascd.msk.f32 $0xffff, v20, v20;
	v17, _, _ =	vpop (xrf1)  }
0x17f: {  	[tilespmem:s18+$0x30] =	vst v1;
	v15 =	vmax.f32 v4, v5;
	v3 =	vmax.f32 v26, v3;
	(xrf1) =	vsort.ascd.msk.f32 $0xffff, v19, v19;
	v56, _, _ =	vpop (xrf1)  }
0x180: {  	v55 =	vmax.f32 v24, v12;
	v17 =	vsub.f32 $0.0e+00, v17;
	(xrf1) =	vsort.ascd.msk.f32 $0xffff, v10, v10;
	v20 =	vsub.f32 $0.0e+00, v56  }
0x181: {  	[tilespmem:s18+$0x430] =	vst v11;
	v1 =	vmax.f32 v15, v55;
	(xrf1) =	vsort.ascd.msk.f32 $0xffff, v3, v3  }
0x182: {  	[tilespmem:s18+$0x70] =	vst v14;
	v19 =	vmax.f32 v9, v17;
	v9 =	vmin.f32 v9, v17;
	v10 =	vmin.f32 v13, v20  }
0x183: {  	[tilespmem:s18+$0x440] =	vst v7;
	(xrf1) =	vsort.ascd.msk.f32 $0xffff, v1, v1;
	v11 =	vmax.f32 v13, v20;
	v3 =	vmin.f32 v10, v9  }
0x184: {  	[tilespmem:s18+$0x460] =	vst v8;
	v1 =	vmin.f32 v11, v19;
	(xrf1) =	vsort.ascd.msk.f32 $0xffff, v3, v3  }
0x185: {  	[tilespmem:s18+$0x470] =	vst v6;
	v3 =	vmax.f32 v11, v19;
	(xrf1) =	vsort.ascd.msk.f32 $0xffff, v1, v1;
	v1 =	vmin.f32 v4, v5  }
0x186: {  	[tilespmem:s18+$0x450] =	vst v16;
	v4 =	vmax.f32 v10, v9;
	(xrf1) =	vsort.ascd.msk.f32 $0xffff, v3, v3;
	v3 =	vmin.f32 v24, v12  }
0x187: {  	[tilespmem:s18+$0x40] =	vst v0;
	v0 =	vmin.f32 v1, v3;
	(xrf1) =	vsort.ascd.msk.f32 $0xffff, v4, v4  }
0x188: {  	[tilespmem:s18+$0x60] =	vst v18;
	v4 =	vmin.f32 v15, v55;
	(xrf1) =	vsort.ascd.msk.f32 $0xffff, v0, v0  }
0x189: {  	[tilespmem:s18+$0x50] =	vst v2;
	v5, _, _ =	vpop (xrf1);
	v0 =	vmax.f32 v1, v3;
	(xrf1) =	vsort.ascd.msk.f32 $0xffff, v4, v4  }
0x18a: {  	[tilespmem:s19+$0x0] =	vst v5;
	v1, _, _ =	vpop (xrf1);
	(xrf1) =	vsort.ascd.msk.f32 $0xffff, v0, v0  }
0x18b: {  	v2, _, _ =	vpop (xrf1);
	[tilespmem:s19+$0x10] =	vst v1  }
0x18c: {  	[tilespmem:s19+$0x400] =	vst v2;
	v0, _, _ =	vpop (xrf1)  }
0x18d: {  	v1, _, _ =	vpop (xrf1);
	[tilespmem:s19+$0x420] =	vst v0  }
0x18e: {  	v0, _, _ =	vpop (xrf1);
	[tilespmem:s19+$0x20] =	vst v1  }
0x18f: {  	v1, _, _ =	vpop (xrf1);
	[tilespmem:s19+$0x410] =	vst v0  }
0x190: {  	v0, _, _ =	vpop (xrf1);
	[tilespmem:s19+$0x30] =	vst v1  }
0x191: {  	v1, _, _ =	vpop (xrf1);
	[tilespmem:s19+$0x430] =	vst v0  }
0x192: {  	[tilespmem:s19+$0x70] =	vst v1;
	v0, _, _ =	vpop (xrf1)  }
0x193: {  	v1, _, _ =	vpop (xrf1);
	[tilespmem:s19+$0x440] =	vst v0  }
0x194: {  	[tilespmem:s19+$0x460] =	vst v1;
	v1, _, _ =	vpop (xrf1)  }
0x195: {  	[tilespmem:s19+$0x470] =	vst v1;
	v0, _, _ =	vpop (xrf1)  }
0x196: {  	[tilespmem:s19+$0x450] =	vst v0;
	v0, _, _ =	vpop (xrf1)  }
0x197: {  	[tilespmem:s19+$0x40] =	vst v0;
	v0, _, _ =	vpop (xrf1)  }
0x198: {  	[tilespmem:s19+$0x60] =	vst v0;
	v0, _, _ =	vpop (xrf1)  }
0x199: {  	s28 =	sadd.s32 s2, s17;
	s29 =	simm.s32 $0x0;
	[tilespmem:s19+$0x50] =	vst v0  }
0x19a: {  	[hbm4b:s28+s29] =	stream.linear.scatter [tilespmem:s29], [sflag:$0x3], $0x8000, $0x38;
	[tilespmem:$0x10000] =	vst v63  }
0x19b: {  	s30 =	simm.s32 $0x0;
	_ =	swait.ge [sflag:s11], $0x8000  }
0x19c: {  	s18 =	sand.u32 $0x7800, s30;
	s19 =	sand.u32 $0x180, s29;
	[sflag:s11] =	ssyncset.done $0x0  }
0x19d: {  	s18 =	sor.u32 s19, s18;
	[sflag:s11] =	ssyncadd.s32 $0xFFFF8000  }
0x19e: {  	v0 =	vld [tilespmem:s18+$0x8000]  }
0x19f: {  	v1 =	vld [tilespmem:s18+$0x8020]  }
0x1a0: {  	v2 =	vld [tilespmem:s18+$0x8400]  }
0x1a1: {  	v3 =	vld [tilespmem:s18+$0x8010]  }
0x1a2: {  	v4 =	vld [tilespmem:s18+$0x8450]  }
0x1a3: {  	v5 =	vld [tilespmem:s18+$0x8030]  }
0x1a4: {  	v6 =	vld [tilespmem:s18+$0x8460]  }
0x1a5: {  	(xrf1) =	vsort.ascd.msk.f32 $0xffff, v1, v1;
	v1 =	vld [tilespmem:s18+$0x8070]  }
0x1a6: {  	v3 =	vsub.f32 $0.0e+00, v3;
	(xrf1) =	vsort.ascd.msk.f32 $0xffff, v0, v0;
	v0 =	vld [tilespmem:s18+$0x8410]  }
0x1a7: {  	v7 =	vld [tilespmem:s18+$0x8470];
	v4 =	vsub.f32 $0.0e+00, v4;
	(xrf1) =	vsort.ascd.msk.f32 $0xffff, v2, v2  }
0x1a8: {  	v5 =	vsub.f32 $0.0e+00, v5;
	v2 =	vld [tilespmem:s18+$0x8050];
	(xrf1) =	vsort.ascd.msk.f32 $0xffff, v3, v3  }
0x1a9: {  	v3 =	vld [tilespmem:s18+$0x8440];
	(xrf1) =	vsort.ascd.msk.f32 $0xffff, v4, v4  }
0x1aa: {  	v4 =	vld [tilespmem:s18+$0x8430];
	(xrf1) =	vsort.ascd.msk.f32 $0xffff, v5, v5;
	v1 =	vsub.f32 $0.0e+00, v1  }
0x1ab: {  	v5 =	vld [tilespmem:s18+$0x8420];
	(xrf1) =	vsort.ascd.msk.f32 $0xffff, v6, v6;
	v0 =	vsub.f32 $0.0e+00, v0  }
0x1ac: {  	(xrf1) =	vsort.ascd.msk.f32 $0xffff, v1, v1  }
0x1ad: {  	v1 =	vsub.f32 $0.0e+00, v2;
	(xrf1) =	vsort.ascd.msk.f32 $0xffff, v0, v0  }
0x1ae: {  	v0 =	vld [tilespmem:s18+$0x8040];
	(xrf1) =	vsort.ascd.msk.f32 $0xffff, v3, v3  }
0x1af: {  	v2 =	vsub.f32 $0.0e+00, v4;
	v3 =	vld [tilespmem:s18+$0x8060];
	(xrf1) =	vsort.ascd.msk.f32 $0xffff, v1, v1;
	v1 =	vsub.f32 $0.0e+00, v7  }
0x1b0: {  	(xrf1) =	vsort.ascd.msk.f32 $0xffff, v5, v5  }
0x1b1: {  	(xrf1) =	vsort.ascd.msk.f32 $0xffff, v2, v2  }
0x1b2: {  	(xrf1) =	vsort.ascd.msk.f32 $0xffff, v1, v1  }
0x1b3: {  	v1, _, _ =	vpop (xrf1);
	(xrf1) =	vsort.ascd.msk.f32 $0xffff, v0, v0  }
0x1b4: {  	v0, _, _ =	vpop (xrf1);
	(xrf1) =	vsort.ascd.msk.f32 $0xffff, v3, v3  }
0x1b5: {  	v2, _, _ =	vpop (xrf1)  }
0x1b6: {  	v3, _, _ =	vpop (xrf1)  }
0x1b7: {  	v4, _, _ =	vpop (xrf1)  }
0x1b8: {  	v5, _, _ =	vpop (xrf1)  }
0x1b9: {  	v6, _, _ =	vpop (xrf1)  }
0x1ba: {  	v7, _, _ =	vpop (xrf1)  }
0x1bb: {  	v8, _, _ =	vpop (xrf1)  }
0x1bc: {  	v9, _, _ =	vpop (xrf1)  }
0x1bd: {  	v10, _, _ =	vpop (xrf1)  }
0x1be: {  	v11, _, _ =	vpop (xrf1)  }
0x1bf: {  	v3 =	vsub.f32 $0.0e+00, v3;
	v12, _, _ =	vpop (xrf1)  }
0x1c0: {  	v13, _, _ =	vpop (xrf1)  }
0x1c1: {  	v4 =	vsub.f32 $0.0e+00, v4;
	v14 =	vmax.f32 v0, v3;
	v7 =	vsub.f32 $0.0e+00, v7;
	v15, _, _ =	vpop (xrf1)  }
0x1c2: {  	v0 =	vmin.f32 v0, v3;
	v5 =	vsub.f32 $0.0e+00, v5;
	(xrf1) =	vsort.ascd.msk.f32 $0xffff, v14, v14;
	v3 =	vsub.f32 $0.0e+00, v10;
	v10, _, _ =	vpop (xrf1)  }
0x1c3: {  	(xrf1) =	vsort.ascd.msk.f32 $0xffff, v0, v0;
	v0 =	vmax.f32 v9, v4;
	v14 =	vmax.f32 v10, v7  }
0x1c4: {  	v16 =	vmax.f32 v1, v5;
	(xrf1) =	vsort.ascd.msk.f32 $0xffff, v0, v0;
	v0 =	vmin.f32 v15, v3;
	v14 =	vsub.f32 $0.0e+00, v14  }
0x1c5: {  	s31 =	simm.s32 $0x800;
	s20 =	simm.s32 $0x8;
	v1 =	vmin.f32 v1, v5;
	v5 =	vsub.f32 $0.0e+00, v16;
	v12 =	vsub.f32 $0.0e+00, v12;
	(xrf1) =	vsort.ascd.msk.f32 $0xffff, v0, v0  }
0x1c6: {  	s21 =	sand.u32 $0x180, s20;
	s19 =	sand.u32 $0x7800, s31;
	v0 =	vsub.f32 $0.0e+00, v1;
	v1 =	vsub.f32 $0.0e+00, v8;
	(xrf1) =	vsort.ascd.msk.f32 $0xffff, v14, v14  }
0x1c7: {  	s19 =	sor.u32 s21, s19;
	v8 =	vmax.f32 v11, v12;
	(xrf1) =	vsort.ascd.msk.f32 $0xffff, v5, v5  }
0x1c8: {  	v11 =	vmin.f32 v11, v12;
	v8 =	vsub.f32 $0.0e+00, v8;
	v12 =	vmin.f32 v2, v1;
	v5 =	vld [tilespmem:s19+$0x8020];
	(xrf1) =	vsort.ascd.msk.f32 $0xffff, v0, v0  }
0x1c9: {  	v11 =	vsub.f32 $0.0e+00, v11;
	v0 =	vld [tilespmem:s19+$0x8000];
	(xrf1) =	vsort.ascd.msk.f32 $0xffff, v12, v12  }
0x1ca: {  	v12 =	vld [tilespmem:s19+$0x8400];
	(xrf1) =	vsort.ascd.msk.f32 $0xffff, v8, v8  }
0x1cb: {  	v3 =	vmax.f32 v15, v3;
	v8 =	vld [tilespmem:s19+$0x8010];
	(xrf1) =	vsort.ascd.msk.f32 $0xffff, v11, v11  }
0x1cc: {  	v7 =	vmin.f32 v10, v7;
	(xrf1) =	vsort.ascd.msk.f32 $0xffff, v3, v3;
	v3 =	vld [tilespmem:s19+$0x8030]  }
0x1cd: {  	v10 =	vld [tilespmem:s19+$0x8450];
	v1 =	vmax.f32 v2, v1;
	(xrf1) =	vsort.ascd.msk.f32 $0xffff, v5, v5;
	v5 =	vsub.f32 $0.0e+00, v7  }
0x1ce: {  	(xrf1) =	vsort.ascd.msk.f32 $0xffff, v1, v1  }
0x1cf: {  	(xrf1) =	vsort.ascd.msk.f32 $0xffff, v5, v5  }
0x1d0: {  	v11 =	vld [tilespmem:s19+$0x8070];
	v5 =	vsub.f32 $0.0e+00, v8;
	(xrf1) =	vsort.ascd.msk.f32 $0xffff, v0, v0  }
0x1d1: {  	v2, _, _ =	vpop (xrf1);
	v1 =	vld [tilespmem:s19+$0x8460];
	(xrf1) =	vsort.ascd.msk.f32 $0xffff, v12, v12;
	v3 =	vsub.f32 $0.0e+00, v3  }
0x1d2: {  	v7, _, _ =	vpop (xrf1);
	v8 =	vsub.f32 $0.0e+00, v13;
	v0 =	vsub.f32 $0.0e+00, v10;
	(xrf1) =	vsort.ascd.msk.f32 $0xffff, v5, v5;
	v5 =	vld [tilespmem:s19+$0x8410]  }
0x1d3: {  	v10, _, _ =	vpop (xrf1)  }
0x1d4: {  	v12, _, _ =	vpop (xrf1);
	(xrf1) =	vsort.ascd.msk.f32 $0xffff, v0, v0;
	v0 =	vmin.f32 v6, v8;
	v6 =	vmax.f32 v6, v8;
	v8 =	vld [tilespmem:s19+$0x8050]  }
0x1d5: {  	(xrf1) =	vsort.ascd.msk.f32 $0xffff, v3, v3;
	v3, _, _ =	vpop (xrf1)  }
0x1d6: {  	v4 =	vmin.f32 v9, v4;
	v13 =	vld [tilespmem:s19+$0x8430];
	v11 =	vsub.f32 $0.0e+00, v11;
	v0 =	vsub.f32 $0.0e+00, v0;
	(xrf1) =	vsort.ascd.msk.f32 $0xffff, v1, v1;
	v9, _, _ =	vpop (xrf1)  }
0x1d7: {  	v1 =	vsub.f32 $0.0e+00, v6;
	v6 =	vld [tilespmem:s19+$0x8440];
	(xrf1) =	vsort.ascd.msk.f32 $0xffff, v4, v4;
	v14, _, _ =	vpop (xrf1);
	v5 =	vsub.f32 $0.0e+00, v5  }
0x1d8: {  	v4 =	vld [tilespmem:s19+$0x8470];
	(xrf1) =	vsort.ascd.msk.f32 $0xffff, v0, v0;
	v15, _, _ =	vpop (xrf1)  }
0x1d9: {  	v0 =	vld [tilespmem:s19+$0x8420];
	(xrf1) =	vsort.ascd.msk.f32 $0xffff, v1, v1;
	v8 =	vsub.f32 $0.0e+00, v8;
	v16, _, _ =	vpop (xrf1)  }
0x1da: {  	(xrf1) =	vsort.ascd.msk.f32 $0xffff, v11, v11;
	v11, _, _ =	vpop (xrf1)  }
0x1db: {  	v9 =	vsub.f32 $0.0e+00, v9;
	(xrf1) =	vsort.ascd.msk.f32 $0xffff, v5, v5;
	v5, _, _ =	vpop (xrf1)  }
0x1dc: {  	v14 =	vsub.f32 $0.0e+00, v14;
	(xrf1) =	vsort.ascd.msk.f32 $0xffff, v6, v6;
	v1, _, _ =	vpop (xrf1)  }
0x1dd: {  	v13 =	vsub.f32 $0.0e+00, v13;
	v57 =	vmin.f32 v7, v9;
	v16 =	vsub.f32 $0.0e+00, v16;
	v6 =	vld [tilespmem:s19+$0x8040];
	(xrf1) =	vsort.ascd.msk.f32 $0xffff, v8, v8;
	v8, _, _ =	vpop (xrf1)  }
0x1de: {  	v19 =	vmin.f32 v2, v14;
	v4 =	vsub.f32 $0.0e+00, v4;
	v11 =	vsub.f32 $0.0e+00, v11;
	(xrf1) =	vsort.ascd.msk.f32 $0xffff, v0, v0;
	v17, _, _ =	vpop (xrf1)  }
0x1df: {  	v18 =	vld [tilespmem:s19+$0x8060];
	v59 =	vmin.f32 v57, v19;
	(xrf1) =	vsort.ascd.msk.f32 $0xffff, v13, v13;
	v13 =	vmax.f32 v15, v16;
	v58, _, _ =	vpop (xrf1)  }
0x1e0: {  	(xrf1) =	vsort.ascd.msk.f32 $0xffff, v4, v4;
	v4 =	vmin.f32 v15, v16;
	v15 =	vmin.f32 v8, v11;
	v0, _, _ =	vpop (xrf1)  }
0x1e1: {  	v8 =	vmax.f32 v8, v11;
	v11 =	vmax.f32 v57, v19;
	(xrf1) =	vsort.ascd.msk.f32 $0xffff, v59, v59;
	v16, _, _ =	vpop (xrf1)  }
0x1e2: {  	(xrf1) =	vsort.ascd.msk.f32 $0xffff, v6, v6;
	v6 =	vmin.f32 v4, v15;
	v4 =	vmax.f32 v4, v15;
	v15 =	vsub.f32 $0.0e+00, v16  }
0x1e3: {  	v19, _, _ =	vpop (xrf1);
	(xrf1) =	vsort.ascd.msk.f32 $0xffff, v11, v11  }
0x1e4: {  	v7 =	vmax.f32 v7, v9;
	v16, _, _ =	vpop (xrf1);
	(xrf1) =	vsort.ascd.msk.f32 $0xffff, v18, v18;
	v9 =	vmax.f32 v58, v15  }
0x1e5: {  	v2 =	vmax.f32 v2, v14;
	v17 =	vsub.f32 $0.0e+00, v17;
	v11 =	vmin.f32 v13, v8;
	v18, _, _ =	vpop (xrf1);
	(xrf1) =	vsort.ascd.msk.f32 $0xffff, v6, v6  }
0x1e6: {  	v14 =	vmin.f32 v7, v2;
	v2 =	vmax.f32 v7, v2;
	v61, _, _ =	vpop (xrf1);
	(xrf1) =	vsort.ascd.msk.f32 $0xffff, v9, v9  }
0x1e7: {  	v3 =	vsub.f32 $0.0e+00, v3;
	v60 =	vmax.f32 v5, v17;
	v6 =	vmin.f32 v58, v15;
	(xrf1) =	vsort.ascd.msk.f32 $0xffff, v11, v11;
	v9, _, _ =	vpop (xrf1)  }
0x1e8: {  	v5 =	vmin.f32 v5, v17;
	v8 =	vmax.f32 v13, v8;
	(xrf1) =	vsort.ascd.msk.f32 $0xffff, v14, v14;
	v11, _, _ =	vpop (xrf1);
	v9 =	vsub.f32 $0.0e+00, v9  }
0x1e9: {  	v13 =	vmin.f32 v12, v3;
	v3 =	vmax.f32 v12, v3;
	(xrf1) =	vsort.ascd.msk.f32 $0xffff, v6, v6;
	v15, _, _ =	vpop (xrf1)  }
0x1ea: {  	v12 =	vmax.f32 v3, v60;
	v63 =	vmin.f32 v13, v5;
	v14 =	vsub.f32 $0.0e+00, v11;
	(xrf1) =	vsort.ascd.msk.f32 $0xffff, v4, v4;
	v6, _, _ =	vpop (xrf1)  }
0x1eb: {  	v17 =	vmax.f32 v10, v9;
	v4 =	vmin.f32 v10, v9;
	(xrf1) =	vsort.ascd.msk.f32 $0xffff, v2, v2;
	v62, _, _ =	vpop (xrf1)  }
0x1ec: {  	v10 =	vmax.f32 v13, v5;
	v2 =	vmin.f32 v61, v14;
	(xrf1) =	vsort.ascd.msk.f32 $0xffff, v8, v8;
	v9, _, _ =	vpop (xrf1)  }
0x1ed: {  	v8 =	vmax.f32 v61, v14;
	v5 =	vmin.f32 v2, v4;
	(xrf1) =	vsort.ascd.msk.f32 $0xffff, v12, v12;
	v7, _, _ =	vpop (xrf1)  }
0x1ee: {  	v13 =	vsub.f32 $0.0e+00, v19;
	v12 =	vmin.f32 v3, v60;
	v19 =	vmin.f32 v8, v17;
	(xrf1) =	vsort.ascd.msk.f32 $0xffff, v5, v5;
	v11, _, _ =	vpop (xrf1)  }
0x1ef: {  	v3 =	vsub.f32 $0.0e+00, v9;
	v9 =	vmax.f32 v2, v4;
	v2 =	vmax.f32 v8, v17;
	(xrf1) =	vsort.ascd.msk.f32 $0xffff, v19, v19;
	v14, _, _ =	vpop (xrf1)  }
0x1f0: {  	v17 =	vmax.f32 v62, v13;
	(xrf1) =	vsort.ascd.msk.f32 $0xffff, v2, v2;
	v4, _, _ =	vpop (xrf1)  }
0x1f1: {  	v5 =	vsub.f32 $0.0e+00, v14;
	(xrf1) =	vsort.ascd.msk.f32 $0xffff, v17, v17;
	v14, _, _ =	vpop (xrf1)  }
0x1f2: {  	v19 =	vsub.f32 $0.0e+00, v15;
	v15 =	vsub.f32 $0.0e+00, v16;
	v2 =	vmin.f32 v62, v13;
	(xrf1) =	vsort.ascd.msk.f32 $0xffff, v9, v9;
	v13, _, _ =	vpop (xrf1)  }
0x1f3: {  	[tilespmem:s18+$0x8000] =	vst v4;
	v8 =	vmax.f32 v14, v3;
	v4 =	vmin.f32 v18, v5;
	v5 =	vmax.f32 v18, v5;
	v17, _, _ =	vpop (xrf1)  }
0x1f4: {  	s22 =	simm.s32 $0x4000;
	s21 =	simm.s32 $0x4;
	(xrf1) =	vsort.ascd.msk.f32 $0xffff, v63, v63;
	[tilespmem:s18+$0x8010] =	vst v13;
	v9 =	vmin.f32 v17, v19;
	v16 =	vmax.f32 v17, v19;
	v13, _, _ =	vpop (xrf1)  }
.LBB2_7:
0x1f5: {  	s23 =	sshrl.u32 s22, $0x2;
	s21 =	sadd.s32 $0x4, s21;
	v14 =	vmin.f32 v14, v3;
	s20 =	sadd.s32 $0x8, s20;
	v3, _, _ =	vpop (xrf1);
	[tilespmem:s18+$0x8400] =	vst v13;
	(xrf1) =	vsort.ascd.msk.f32 $0xffff, v12, v12  }
0x1f6: {  	v13 =	vsub.f32 $0.0e+00, v16;
	s24 =	sand.u32 $0x180, s20;
	s23 =	sand.u32 $0x7800, s23;
	p0 =	slt.u32 s21, $0xFC;
	v12 =	vmin.f32 v1, v15;
	v1 =	vmax.f32 v1, v15;
	(xrf1) =	vsort.ascd.msk.f32 $0xffff, v10, v10;
	v10, _, _ =	vpop (xrf1)  }
0x1f7: {  	v11 =	vsub.f32 $0.0e+00, v11;
	s23 =	sor.u32 s24, s23;
	v16 =	vsub.f32 $0.0e+00, v1;
	(xrf1) =	vsort.ascd.msk.f32 $0xffff, v14, v14;
	[tilespmem:s18+$0x8420] =	vst v10;
	v10, _, _ =	vpop (xrf1)  }
0x1f8: {  	v15 =	vsub.f32 $0.0e+00, v6;
	v12 =	vsub.f32 $0.0e+00, v12;
	v14 =	vld [tilespmem:s23+$0x8000];
	v6, _, _ =	vpop (xrf1);
	(xrf1) =	vsort.ascd.msk.f32 $0xffff, v13, v13;
	[tilespmem:s18+$0x8020] =	vst v10  }
0x1f9: {  	v13 =	vmin.f32 v7, v11;
	v7 =	vmax.f32 v7, v11;
	v10 =	vld [tilespmem:s23+$0x8020];
	(xrf1) =	vsort.ascd.msk.f32 $0xffff, v16, v16;
	v1, _, _ =	vpop (xrf1)  }
0x1fa: {  	v16 =	vmin.f32 v0, v15;
	v7 =	vsub.f32 $0.0e+00, v7;
	v11 =	vld [tilespmem:s23+$0x8400];
	(xrf1) =	vsort.ascd.msk.f32 $0xffff, v12, v12;
	[tilespmem:s18+$0x8410] =	vst v1;
	v1, _, _ =	vpop (xrf1)  }
0x1fb: {  	v13 =	vsub.f32 $0.0e+00, v13;
	v12 =	vld [tilespmem:s23+$0x8010];
	(xrf1) =	vsort.ascd.msk.f32 $0xffff, v16, v16;
	[tilespmem:s18+$0x8030] =	vst v1;
	v1, _, _ =	vpop (xrf1)  }
0x1fc: {  	v16 =	vld [tilespmem:s23+$0x8030];
	(xrf1) =	vsort.ascd.msk.f32 $0xffff, v7, v7;
	[tilespmem:s18+$0x8430] =	vst v1;
	v1, _, _ =	vpop (xrf1)  }
0x1fd: {  	v17 =	vld [tilespmem:s23+$0x8470];
	(xrf1) =	vsort.ascd.msk.f32 $0xffff, v13, v13;
	[tilespmem:s18+$0x8070] =	vst v1;
	v1, _, _ =	vpop (xrf1)  }
0x1fe: {  	v13 =	vld [tilespmem:s23+$0x8450];
	(xrf1) =	vsort.ascd.msk.f32 $0xffff, v8, v8;
	v7, _, _ =	vpop (xrf1)  }
0x1ff: {  	v9 =	vsub.f32 $0.0e+00, v9;
	v0 =	vmax.f32 v0, v15;
	v8 =	vld [tilespmem:s23+$0x8430];
	(xrf1) =	vsort.ascd.msk.f32 $0xffff, v10, v10;
	[tilespmem:s18+$0x8460] =	vst v7;
	v10, _, _ =	vpop (xrf1)  }
0x200: {  	v15 =	vld [tilespmem:s23+$0x8050];
	(xrf1) =	vsort.ascd.msk.f32 $0xffff, v0, v0;
	v7, _, _ =	vpop (xrf1);
	[tilespmem:s18+$0x8470] =	vst v10  }
0x201: {  	v0 =	vld [tilespmem:s23+$0x8460];
	(xrf1) =	vsort.ascd.msk.f32 $0xffff, v9, v9;
	[tilespmem:s18+$0x8440] =	vst v1;
	v1, _, _ =	vpop (xrf1)  }
0x202: {  	v18 =	vsub.f32 $0.0e+00, v12;
	v10 =	vld [tilespmem:s23+$0x8040];
	(xrf1) =	vsort.ascd.msk.f32 $0xffff, v14, v14;
	[tilespmem:s18+$0x8450] =	vst v1;
	v1, _, _ =	vpop (xrf1)  }
0x203: {  	v12 =	vld [tilespmem:s23+$0x8410];
	v13 =	vsub.f32 $0.0e+00, v13;
	(xrf1) =	vsort.ascd.msk.f32 $0xffff, v11, v11;
	[tilespmem:s18+$0x8040] =	vst v1;
	v1, _, _ =	vpop (xrf1)  }
0x204: {  	v11 =	vsub.f32 $0.0e+00, v16;
	v14 =	vld [tilespmem:s23+$0x8070];
	(xrf1) =	vsort.ascd.msk.f32 $0xffff, v18, v18;
	[tilespmem:s18+$0x8060] =	vst v1;
	v1, _, _ =	vpop (xrf1)  }
0x205: {  	v5 =	vsub.f32 $0.0e+00, v5;
	v4 =	vsub.f32 $0.0e+00, v4;
	(xrf1) =	vsort.ascd.msk.f32 $0xffff, v13, v13;
	v9, _, _ =	vpop (xrf1);
	[tilespmem:s18+$0x8050] =	vst v1;
	s18 =	smov.u32 s19;
	s19 =	smov.u32 s23  }
0x206: {  	v16 =	vsub.f32 $0.0e+00, v17;
	v13 =	vsub.f32 $0.0e+00, v15;
	v15 =	vld [tilespmem:s19+$0x8420];
	(xrf1) =	vsort.ascd.msk.f32 $0xffff, v11, v11;
	v1, _, _ =	vpop (xrf1)  }
0x207: {  	v8 =	vsub.f32 $0.0e+00, v8;
	v11 =	vld [tilespmem:s19+$0x8440];
	(xrf1) =	vsort.ascd.msk.f32 $0xffff, v0, v0;
	v17 =	vsub.f32 $0.0e+00, v1;
	v0, _, _ =	vpop (xrf1)  }
0x208: {  	v18 =	vld [tilespmem:s19+$0x8060];
	v1 =	vsub.f32 $0.0e+00, v12;
	v12 =	vsub.f32 $0.0e+00, v0;
	v0, _, _ =	vpop (xrf1);
	(xrf1) =	vsort.ascd.msk.f32 $0xffff, v2, v2  }
0x209: {  	v2 =	vsub.f32 $0.0e+00, v14;
	v14 =	vsub.f32 $0.0e+00, v0;
	v0, _, _ =	vpop (xrf1);
	(xrf1) =	vsort.ascd.msk.f32 $0xffff, v4, v4  }
0x20a: {  	v4, _, _ =	vpop (xrf1);
	(xrf1) =	vsort.ascd.msk.f32 $0xffff, v5, v5  }
0x20b: {  	(xrf1) =	vsort.ascd.msk.f32 $0xffff, v2, v2;
	v2 =	vmin.f32 v3, v14;
	v4 =	vsub.f32 $0.0e+00, v4;
	v5, _, _ =	vpop (xrf1)  }
0x20c: {  	(xrf1) =	vsort.ascd.msk.f32 $0xffff, v1, v1;
	v19, _, _ =	vpop (xrf1)  }
0x20d: {  	v5 =	vsub.f32 $0.0e+00, v5;
	v1, _, _ =	vpop (xrf1);
	(xrf1) =	vsort.ascd.msk.f32 $0xffff, v11, v11;
	v11 =	vmin.f32 v6, v12;
	v20 =	vmax.f32 v0, v4  }
0x20e: {  	(xrf1) =	vsort.ascd.msk.f32 $0xffff, v13, v13;
	v13 =	vmin.f32 v11, v2;
	v21, _, _ =	vpop (xrf1)  }
0x20f: {  	v4 =	vmin.f32 v0, v4;
	(xrf1) =	vsort.ascd.msk.f32 $0xffff, v15, v15;
	v15 =	vmin.f32 v21, v5;
	v0, _, _ =	vpop (xrf1)  }
0x210: {  	v5 =	vmax.f32 v21, v5;
	v22, _, _ =	vpop (xrf1);
	(xrf1) =	vsort.ascd.msk.f32 $0xffff, v8, v8;
	v8 =	vsub.f32 $0.0e+00, v0;
	v21 =	vmin.f32 v4, v15  }
0x211: {  	v4 =	vmax.f32 v4, v15;
	v15 =	vmin.f32 v20, v5;
	v0, _, _ =	vpop (xrf1);
	(xrf1) =	vsort.ascd.msk.f32 $0xffff, v16, v16  }
0x212: {  	v2 =	vmax.f32 v11, v2;
	v16, _, _ =	vpop (xrf1);
	v11 =	vmax.f32 v19, v8;
	(xrf1) =	vsort.ascd.msk.f32 $0xffff, v13, v13  }
0x213: {  	v13 =	vsub.f32 $0.0e+00, v16;
	(xrf1) =	vsort.ascd.msk.f32 $0xffff, v10, v10;
	v10, _, _ =	vpop (xrf1)  }
0x214: {  	v3 =	vmax.f32 v3, v14;
	v6 =	vmax.f32 v6, v12;
	v16, _, _ =	vpop (xrf1);
	(xrf1) =	vsort.ascd.msk.f32 $0xffff, v2, v2  }
0x215: {  	v12 =	vmin.f32 v6, v3;
	v2 =	vmin.f32 v22, v13;
	(xrf1) =	vsort.ascd.msk.f32 $0xffff, v18, v18;
	v18, _, _ =	vpop (xrf1)  }
0x216: {  	v22 =	vmax.f32 v22, v13;
	(xrf1) =	vsort.ascd.msk.f32 $0xffff, v21, v21;
	v14, _, _ =	vpop (xrf1)  }
0x217: {  	v5 =	vmax.f32 v20, v5;
	(xrf1) =	vsort.ascd.msk.f32 $0xffff, v22, v22;
	v13, _, _ =	vpop (xrf1)  }
0x218: {  	v20 =	vmin.f32 v9, v17;
	v9 =	vmax.f32 v9, v17;
	v13 =	vsub.f32 $0.0e+00, v13;
	(xrf1) =	vsort.ascd.msk.f32 $0xffff, v15, v15;
	v15, _, _ =	vpop (xrf1)  }
0x219: {  	v3 =	vmax.f32 v6, v3;
	v21 =	vmax.f32 v9, v11;
	v17, _, _ =	vpop (xrf1);
	v15 =	vsub.f32 $0.0e+00, v15;
	(xrf1) =	vsort.ascd.msk.f32 $0xffff, v12, v12  }
0x21a: {  	(xrf1) =	vsort.ascd.msk.f32 $0xffff, v2, v2;
	v6, _, _ =	vpop (xrf1);
	v2 =	vmin.f32 v19, v8;
	v8 =	vmax.f32 v7, v13  }
0x21b: {  	v13 =	vmin.f32 v7, v13;
	v19, _, _ =	vpop (xrf1);
	v22 =	vmin.f32 v20, v2;
	(xrf1) =	vsort.ascd.msk.f32 $0xffff, v4, v4  }
0x21c: {  	v4 =	vsub.f32 $0.0e+00, v10;
	v10 =	vmax.f32 v20, v2;
	v2 =	vmin.f32 v14, v15;
	v23, _, _ =	vpop (xrf1);
	(xrf1) =	vsort.ascd.msk.f32 $0xffff, v3, v3  }
0x21d: {  	v12 =	vmin.f32 v9, v11;
	v9 =	vmin.f32 v2, v13;
	v7, _, _ =	vpop (xrf1);
	(xrf1) =	vsort.ascd.msk.f32 $0xffff, v5, v5  }
0x21e: {  	v13 =	vmax.f32 v2, v13;
	v3 =	vsub.f32 $0.0e+00, v23;
	v5 =	vmax.f32 v14, v15;
	v11, _, _ =	vpop (xrf1);
	(xrf1) =	vsort.ascd.msk.f32 $0xffff, v21, v21  }
0x21f: {  	v20 =	vmin.f32 v5, v8;
	v5 =	vmax.f32 v5, v8;
	v2, _, _ =	vpop (xrf1);
	(xrf1) =	vsort.ascd.msk.f32 $0xffff, v9, v9  }
.Ltmp2:
0x220: {  	v21 =	vmax.f32 v19, v4;
	v9 =	vsub.f32 $0.0e+00, v2;
	v2, _, _ =	vpop (xrf1);
	(xrf1) =	vsort.ascd.msk.f32 $0xffff, v20, v20;
	(pc) =	sbr.rel @p0 .LBB2_7-.Ltmp2, $4  }
0x221: {  	v17 =	vsub.f32 $0.0e+00, v17;
	v14, _, _ =	vpop (xrf1);
	[tilespmem:s18+$0x8000] =	vst v2;
	(xrf1) =	vsort.ascd.msk.f32 $0xffff, v5, v5  }
0x222: {  	v2 =	vmin.f32 v19, v4;
	v8 =	vmax.f32 v14, v3;
	(xrf1) =	vsort.ascd.msk.f32 $0xffff, v21, v21;
	v15, _, _ =	vpop (xrf1)  }
0x223: {  	v4 =	vmin.f32 v18, v9;
	v5 =	vmax.f32 v18, v9;
	v18, _, _ =	vpop (xrf1);
	[tilespmem:s18+$0x8010] =	vst v15;
	(xrf1) =	vsort.ascd.msk.f32 $0xffff, v13, v13  }
0x224: {  	s22 =	sadd.s32 $0x2000, s22;
	v15 =	vsub.f32 $0.0e+00, v16;
	v9 =	vmin.f32 v18, v17;
	v16 =	vmax.f32 v18, v17;
	(xrf1) =	vsort.ascd.msk.f32 $0xffff, v22, v22;
	v13, _, _ =	vpop (xrf1)  }
0x225: {  	v3 =	vmin.f32 v14, v3  }
0x226: {  	v17, _, _ =	vpop (xrf1);
	(xrf1) =	vsort.ascd.msk.f32 $0xffff, v12, v12;
	v14 =	vsub.f32 $0.0e+00, v16;
	v12 =	vmax.f32 v1, v15  }
0x227: {  	v11 =	vsub.f32 $0.0e+00, v11;
	(xrf1) =	vsort.ascd.msk.f32 $0xffff, v10, v10;
	v10, _, _ =	vpop (xrf1);
	v1 =	vmin.f32 v1, v15;
	v12 =	vsub.f32 $0.0e+00, v12  }
0x228: {  	v6 =	vsub.f32 $0.0e+00, v6;
	(xrf1) =	vsort.ascd.msk.f32 $0xffff, v3, v3;
	v1 =	vsub.f32 $0.0e+00, v1;
	v3, _, _ =	vpop (xrf1)  }
0x229: {  	v15, _, _ =	vpop (xrf1);
	(xrf1) =	vsort.ascd.msk.f32 $0xffff, v14, v14;
	v14 =	vmax.f32 v7, v11  }
0x22a: {  	v7 =	vmin.f32 v7, v11;
	v11 =	vmin.f32 v0, v6;
	(xrf1) =	vsort.ascd.msk.f32 $0xffff, v12, v12;
	v14 =	vsub.f32 $0.0e+00, v14  }
0x22b: {  	v7 =	vsub.f32 $0.0e+00, v7;
	v12, _, _ =	vpop (xrf1);
	(xrf1) =	vsort.ascd.msk.f32 $0xffff, v1, v1  }
0x22c: {  	v1, _, _ =	vpop (xrf1);
	(xrf1) =	vsort.ascd.msk.f32 $0xffff, v11, v11  }
0x22d: {  	v11, _, _ =	vpop (xrf1);
	(xrf1) =	vsort.ascd.msk.f32 $0xffff, v14, v14  }
0x22e: {  	v14, _, _ =	vpop (xrf1);
	(xrf1) =	vsort.ascd.msk.f32 $0xffff, v7, v7  }
0x22f: {  	v0 =	vmax.f32 v0, v6;
	v7, _, _ =	vpop (xrf1);
	(xrf1) =	vsort.ascd.msk.f32 $0xffff, v8, v8  }
0x230: {  	v8, _, _ =	vpop (xrf1);
	(xrf1) =	vsort.ascd.msk.f32 $0xffff, v0, v0;
	v0 =	vsub.f32 $0.0e+00, v9  }
0x231: {  	v6, _, _ =	vpop (xrf1)  }
0x232: {  	v9, _, _ =	vpop (xrf1)  }
0x233: {  	v4 =	vsub.f32 $0.0e+00, v4;
	v16, _, _ =	vpop (xrf1)  }
0x234: {  	v5 =	vsub.f32 $0.0e+00, v5;
	(xrf1) =	vsort.ascd.msk.f32 $0xffff, v0, v0;
	v0, _, _ =	vpop (xrf1)  }
0x235: {  	v18, _, _ =	vpop (xrf1)  }
0x236: {  	(xrf1) =	vsort.ascd.msk.f32 $0xffff, v2, v2;
	v2, _, _ =	vpop (xrf1)  }
0x237: {  	(xrf1) =	vsort.ascd.msk.f32 $0xffff, v4, v4;
	v4, _, _ =	vpop (xrf1)  }
0x238: {  	(xrf1) =	vsort.ascd.msk.f32 $0xffff, v5, v5;
	v5, _, _ =	vpop (xrf1)  }
0x239: {  	v19, _, _ =	vpop (xrf1)  }
0x23a: {  	v20, _, _ =	vpop (xrf1)  }
0x23b: {  	v21, _, _ =	vpop (xrf1)  }
0x23c: {  	v19 =	vsub.f32 $0.0e+00, v19;
	v20 =	vsub.f32 $0.0e+00, v20;
	v22, _, _ =	vpop (xrf1)  }
0x23d: {  	v22 =	vsub.f32 $0.0e+00, v22;
	v23, _, _ =	vpop (xrf1)  }
0x23e: {  	[tilespmem:s18+$0x8400] =	vst v13;
	v25 =	vmin.f32 v15, v19;
	v13 =	vmin.f32 v17, v20;
	v24, _, _ =	vpop (xrf1);
	v23 =	vsub.f32 $0.0e+00, v23  }
0x23f: {  	[tilespmem:s18+$0x8420] =	vst v10;
	v10 =	vmin.f32 v25, v13;
	v13 =	vmax.f32 v25, v13;
	v26 =	vmax.f32 v21, v22;
	v27, _, _ =	vpop (xrf1)  }
0x240: {  	v21 =	vmin.f32 v21, v22;
	(xrf1) =	vsort.ascd.msk.f32 $0xffff, v10, v10;
	v54 =	vmin.f32 v27, v23  }
0x241: {  	[tilespmem:s18+$0x8020] =	vst v3;
	v3 =	vmax.f32 v27, v23;
	(xrf1) =	vsort.ascd.msk.f32 $0xffff, v13, v13;
	v13 =	vmin.f32 v21, v54  }
0x242: {  	v10 =	vmax.f32 v15, v19;
	v15 =	vmax.f32 v17, v20;
	v17 =	vmin.f32 v26, v3  }
0x243: {  	[tilespmem:s18+$0x8410] =	vst v12;
	v12, _, _ =	vpop (xrf1);
	(xrf1) =	vsort.ascd.msk.f32 $0xffff, v13, v13  }
0x244: {  	v5 =	vsub.f32 $0.0e+00, v5;
	v20 =	vmin.f32 v10, v15;
	(xrf1) =	vsort.ascd.msk.f32 $0xffff, v17, v17;
	v13, _, _ =	vpop (xrf1)  }
0x245: {  	v10 =	vmax.f32 v10, v15;
	v12 =	vsub.f32 $0.0e+00, v12;
	v19 =	vmax.f32 v21, v54;
	(xrf1) =	vsort.ascd.msk.f32 $0xffff, v20, v20;
	v17, _, _ =	vpop (xrf1)  }
0x246: {  	[tilespmem:s18+$0x8030] =	vst v1;
	v15 =	vmax.f32 v4, v5;
	v3 =	vmax.f32 v26, v3;
	(xrf1) =	vsort.ascd.msk.f32 $0xffff, v19, v19;
	v56, _, _ =	vpop (xrf1)  }
0x247: {  	v55 =	vmax.f32 v24, v12;
	v17 =	vsub.f32 $0.0e+00, v17;
	(xrf1) =	vsort.ascd.msk.f32 $0xffff, v10, v10;
	v20 =	vsub.f32 $0.0e+00, v56  }
0x248: {  	[tilespmem:s18+$0x8430] =	vst v11;
	v1 =	vmax.f32 v15, v55;
	(xrf1) =	vsort.ascd.msk.f32 $0xffff, v3, v3  }
0x249: {  	[tilespmem:s18+$0x8070] =	vst v14;
	v19 =	vmax.f32 v9, v17;
	v9 =	vmin.f32 v9, v17;
	v10 =	vmin.f32 v13, v20  }
0x24a: {  	[tilespmem:s18+$0x8440] =	vst v7;
	(xrf1) =	vsort.ascd.msk.f32 $0xffff, v1, v1;
	v11 =	vmax.f32 v13, v20;
	v3 =	vmin.f32 v10, v9  }
0x24b: {  	[tilespmem:s18+$0x8460] =	vst v8;
	v1 =	vmin.f32 v11, v19;
	(xrf1) =	vsort.ascd.msk.f32 $0xffff, v3, v3  }
0x24c: {  	[tilespmem:s18+$0x8470] =	vst v6;
	v3 =	vmax.f32 v11, v19;
	(xrf1) =	vsort.ascd.msk.f32 $0xffff, v1, v1;
	v1 =	vmin.f32 v4, v5  }
0x24d: {  	[tilespmem:s18+$0x8450] =	vst v16;
	v4 =	vmax.f32 v10, v9;
	(xrf1) =	vsort.ascd.msk.f32 $0xffff, v3, v3;
	v3 =	vmin.f32 v24, v12  }
0x24e: {  	[tilespmem:s18+$0x8040] =	vst v0;
	v0 =	vmin.f32 v1, v3;
	(xrf1) =	vsort.ascd.msk.f32 $0xffff, v4, v4  }
0x24f: {  	[tilespmem:s18+$0x8060] =	vst v18;
	v4 =	vmin.f32 v15, v55;
	(xrf1) =	vsort.ascd.msk.f32 $0xffff, v0, v0  }
0x250: {  	[tilespmem:s18+$0x8050] =	vst v2;
	v5, _, _ =	vpop (xrf1);
	v0 =	vmax.f32 v1, v3;
	(xrf1) =	vsort.ascd.msk.f32 $0xffff, v4, v4  }
0x251: {  	[tilespmem:s19+$0x8000] =	vst v5;
	v1, _, _ =	vpop (xrf1);
	(xrf1) =	vsort.ascd.msk.f32 $0xffff, v0, v0  }
0x252: {  	v2, _, _ =	vpop (xrf1);
	[tilespmem:s19+$0x8010] =	vst v1  }
0x253: {  	[tilespmem:s19+$0x8400] =	vst v2;
	v0, _, _ =	vpop (xrf1)  }
0x254: {  	v1, _, _ =	vpop (xrf1);
	[tilespmem:s19+$0x8420] =	vst v0  }
0x255: {  	v0, _, _ =	vpop (xrf1);
	[tilespmem:s19+$0x8020] =	vst v1  }
0x256: {  	v1, _, _ =	vpop (xrf1);
	[tilespmem:s19+$0x8410] =	vst v0  }
0x257: {  	v0, _, _ =	vpop (xrf1);
	[tilespmem:s19+$0x8030] =	vst v1  }
0x258: {  	v1, _, _ =	vpop (xrf1);
	[tilespmem:s19+$0x8430] =	vst v0  }
0x259: {  	[tilespmem:s19+$0x8070] =	vst v1;
	v0, _, _ =	vpop (xrf1)  }
0x25a: {  	v1, _, _ =	vpop (xrf1);
	[tilespmem:s19+$0x8440] =	vst v0  }
0x25b: {  	[tilespmem:s19+$0x8460] =	vst v1;
	v1, _, _ =	vpop (xrf1)  }
0x25c: {  	[tilespmem:s19+$0x8470] =	vst v1;
	v0, _, _ =	vpop (xrf1)  }
0x25d: {  	[tilespmem:s19+$0x8450] =	vst v0;
	v0, _, _ =	vpop (xrf1)  }
0x25e: {  	[tilespmem:s19+$0x8040] =	vst v0;
	v0, _, _ =	vpop (xrf1)  }
0x25f: {  	[tilespmem:s19+$0x8060] =	vst v0;
	v0, _, _ =	vpop (xrf1)  }
0x260: {  	[tilespmem:s19+$0x8050] =	vst v0  }
0x261: {  	p0 =	seq.s32 s15, $0xF;
	_ =	swait.ge [sflag:s12], $0x8000  }
0x262: {  	s29 =	simm.s32 $0x200;
	s30 =	simm.s32 $0x20000;
	[sflag:s12] =	ssyncset.done $0x0  }
0x263: {  	s17 =	sadd.s32 @!p0 s17, s7;
	s18 =	simm.s32 @!p0 $0x0;
	[sflag:s12] =	ssyncadd.s32 $0xFFFF8000  }
0x264: {  	[tilespmem:s18], [sflag:$0x1] =	stream.linear.gather @!p0 [hbm4b:s17+s18], $0x8000, $0x38;
	[tilespmem:$0x10000] =	vst v63  }
0x265: {  	s17 =	sand.u32 $0x380, s29;
	s18 =	sand.u32 $0x7800, s30  }
0x266: {  	s17 =	sor.u32 s17, s18  }
0x267: {  	v0 =	vld [tilespmem:s17+$0x8000]  }
0x268: {  	v1 =	vld [tilespmem:s17+$0x8020]  }
0x269: {  	v2 =	vld [tilespmem:s17+$0x8400]  }
0x26a: {  	v3 =	vld [tilespmem:s17+$0x8010]  }
0x26b: {  	v4 =	vld [tilespmem:s17+$0x8450]  }
0x26c: {  	v5 =	vld [tilespmem:s17+$0x8030]  }
0x26d: {  	v6 =	vld [tilespmem:s17+$0x8460]  }
0x26e: {  	(xrf1) =	vsort.ascd.msk.f32 $0xffff, v1, v1;
	v1 =	vld [tilespmem:s17+$0x8070]  }
0x26f: {  	v3 =	vsub.f32 $0.0e+00, v3;
	(xrf1) =	vsort.ascd.msk.f32 $0xffff, v0, v0;
	v0 =	vld [tilespmem:s17+$0x8410]  }
0x270: {  	v7 =	vld [tilespmem:s17+$0x8470];
	v4 =	vsub.f32 $0.0e+00, v4;
	(xrf1) =	vsort.ascd.msk.f32 $0xffff, v2, v2  }
0x271: {  	v5 =	vsub.f32 $0.0e+00, v5;
	v2 =	vld [tilespmem:s17+$0x8050];
	(xrf1) =	vsort.ascd.msk.f32 $0xffff, v3, v3  }
0x272: {  	v3 =	vld [tilespmem:s17+$0x8440];
	(xrf1) =	vsort.ascd.msk.f32 $0xffff, v4, v4  }
0x273: {  	v4 =	vld [tilespmem:s17+$0x8430];
	(xrf1) =	vsort.ascd.msk.f32 $0xffff, v5, v5;
	v1 =	vsub.f32 $0.0e+00, v1  }
0x274: {  	v5 =	vld [tilespmem:s17+$0x8420];
	(xrf1) =	vsort.ascd.msk.f32 $0xffff, v6, v6;
	v0 =	vsub.f32 $0.0e+00, v0  }
0x275: {  	(xrf1) =	vsort.ascd.msk.f32 $0xffff, v1, v1  }
0x276: {  	v1 =	vsub.f32 $0.0e+00, v2;
	(xrf1) =	vsort.ascd.msk.f32 $0xffff, v0, v0  }
0x277: {  	v0 =	vld [tilespmem:s17+$0x8040];
	(xrf1) =	vsort.ascd.msk.f32 $0xffff, v3, v3  }
0x278: {  	v2 =	vsub.f32 $0.0e+00, v4;
	v3 =	vld [tilespmem:s17+$0x8060];
	(xrf1) =	vsort.ascd.msk.f32 $0xffff, v1, v1;
	v1 =	vsub.f32 $0.0e+00, v7  }
0x279: {  	(xrf1) =	vsort.ascd.msk.f32 $0xffff, v5, v5  }
0x27a: {  	(xrf1) =	vsort.ascd.msk.f32 $0xffff, v2, v2  }
0x27b: {  	(xrf1) =	vsort.ascd.msk.f32 $0xffff, v1, v1  }
0x27c: {  	v1, _, _ =	vpop (xrf1);
	(xrf1) =	vsort.ascd.msk.f32 $0xffff, v0, v0  }
0x27d: {  	v0, _, _ =	vpop (xrf1);
	(xrf1) =	vsort.ascd.msk.f32 $0xffff, v3, v3  }
0x27e: {  	v2, _, _ =	vpop (xrf1)  }
0x27f: {  	v3, _, _ =	vpop (xrf1)  }
0x280: {  	v4, _, _ =	vpop (xrf1)  }
0x281: {  	v5, _, _ =	vpop (xrf1)  }
0x282: {  	v6, _, _ =	vpop (xrf1)  }
0x283: {  	v7, _, _ =	vpop (xrf1)  }
0x284: {  	v8, _, _ =	vpop (xrf1)  }
0x285: {  	v9, _, _ =	vpop (xrf1)  }
0x286: {  	v10, _, _ =	vpop (xrf1)  }
0x287: {  	v11, _, _ =	vpop (xrf1)  }
0x288: {  	v3 =	vsub.f32 $0.0e+00, v3;
	v12, _, _ =	vpop (xrf1)  }
0x289: {  	v13, _, _ =	vpop (xrf1)  }
0x28a: {  	v4 =	vsub.f32 $0.0e+00, v4;
	v14 =	vmax.f32 v0, v3;
	v7 =	vsub.f32 $0.0e+00, v7;
	v15, _, _ =	vpop (xrf1)  }
0x28b: {  	v0 =	vmin.f32 v0, v3;
	v5 =	vsub.f32 $0.0e+00, v5;
	(xrf1) =	vsort.ascd.msk.f32 $0xffff, v14, v14;
	v3 =	vsub.f32 $0.0e+00, v10;
	v10, _, _ =	vpop (xrf1)  }
0x28c: {  	(xrf1) =	vsort.ascd.msk.f32 $0xffff, v0, v0;
	v0 =	vmax.f32 v9, v4;
	v14 =	vmax.f32 v10, v7  }
0x28d: {  	v16 =	vmax.f32 v1, v5;
	(xrf1) =	vsort.ascd.msk.f32 $0xffff, v0, v0;
	v0 =	vmin.f32 v15, v3;
	v14 =	vsub.f32 $0.0e+00, v14  }
0x28e: {  	s31 =	simm.s32 $0x20800;
	s19 =	simm.s32 $0x208;
	v1 =	vmin.f32 v1, v5;
	v5 =	vsub.f32 $0.0e+00, v16;
	v12 =	vsub.f32 $0.0e+00, v12;
	(xrf1) =	vsort.ascd.msk.f32 $0xffff, v0, v0  }
0x28f: {  	s20 =	sand.u32 $0x380, s19;
	s18 =	sand.u32 $0x7800, s31;
	v0 =	vsub.f32 $0.0e+00, v1;
	v1 =	vsub.f32 $0.0e+00, v8;
	(xrf1) =	vsort.ascd.msk.f32 $0xffff, v14, v14  }
0x290: {  	s18 =	sor.u32 s20, s18;
	v8 =	vmax.f32 v11, v12;
	(xrf1) =	vsort.ascd.msk.f32 $0xffff, v5, v5  }
0x291: {  	v11 =	vmin.f32 v11, v12;
	v8 =	vsub.f32 $0.0e+00, v8;
	v12 =	vmin.f32 v2, v1;
	v5 =	vld [tilespmem:s18+$0x8020];
	(xrf1) =	vsort.ascd.msk.f32 $0xffff, v0, v0  }
0x292: {  	v11 =	vsub.f32 $0.0e+00, v11;
	v0 =	vld [tilespmem:s18+$0x8000];
	(xrf1) =	vsort.ascd.msk.f32 $0xffff, v12, v12  }
0x293: {  	v12 =	vld [tilespmem:s18+$0x8400];
	(xrf1) =	vsort.ascd.msk.f32 $0xffff, v8, v8  }
0x294: {  	v3 =	vmax.f32 v15, v3;
	v8 =	vld [tilespmem:s18+$0x8010];
	(xrf1) =	vsort.ascd.msk.f32 $0xffff, v11, v11  }
0x295: {  	v7 =	vmin.f32 v10, v7;
	(xrf1) =	vsort.ascd.msk.f32 $0xffff, v3, v3;
	v3 =	vld [tilespmem:s18+$0x8030]  }
0x296: {  	v10 =	vld [tilespmem:s18+$0x8450];
	v1 =	vmax.f32 v2, v1;
	(xrf1) =	vsort.ascd.msk.f32 $0xffff, v5, v5;
	v5 =	vsub.f32 $0.0e+00, v7  }
0x297: {  	(xrf1) =	vsort.ascd.msk.f32 $0xffff, v1, v1  }
0x298: {  	(xrf1) =	vsort.ascd.msk.f32 $0xffff, v5, v5  }
0x299: {  	v11 =	vld [tilespmem:s18+$0x8070];
	v5 =	vsub.f32 $0.0e+00, v8;
	(xrf1) =	vsort.ascd.msk.f32 $0xffff, v0, v0  }
0x29a: {  	v2, _, _ =	vpop (xrf1);
	v1 =	vld [tilespmem:s18+$0x8460];
	(xrf1) =	vsort.ascd.msk.f32 $0xffff, v12, v12;
	v3 =	vsub.f32 $0.0e+00, v3  }
0x29b: {  	v7, _, _ =	vpop (xrf1);
	v8 =	vsub.f32 $0.0e+00, v13;
	v0 =	vsub.f32 $0.0e+00, v10;
	(xrf1) =	vsort.ascd.msk.f32 $0xffff, v5, v5;
	v5 =	vld [tilespmem:s18+$0x8410]  }
0x29c: {  	v10, _, _ =	vpop (xrf1)  }
0x29d: {  	v12, _, _ =	vpop (xrf1);
	(xrf1) =	vsort.ascd.msk.f32 $0xffff, v0, v0;
	v0 =	vmin.f32 v6, v8;
	v6 =	vmax.f32 v6, v8;
	v8 =	vld [tilespmem:s18+$0x8050]  }
0x29e: {  	(xrf1) =	vsort.ascd.msk.f32 $0xffff, v3, v3;
	v3, _, _ =	vpop (xrf1)  }
0x29f: {  	v4 =	vmin.f32 v9, v4;
	v13 =	vld [tilespmem:s18+$0x8430];
	v11 =	vsub.f32 $0.0e+00, v11;
	v0 =	vsub.f32 $0.0e+00, v0;
	(xrf1) =	vsort.ascd.msk.f32 $0xffff, v1, v1;
	v9, _, _ =	vpop (xrf1)  }
0x2a0: {  	v1 =	vsub.f32 $0.0e+00, v6;
	v6 =	vld [tilespmem:s18+$0x8440];
	(xrf1) =	vsort.ascd.msk.f32 $0xffff, v4, v4;
	v14, _, _ =	vpop (xrf1);
	v5 =	vsub.f32 $0.0e+00, v5  }
0x2a1: {  	v4 =	vld [tilespmem:s18+$0x8470];
	(xrf1) =	vsort.ascd.msk.f32 $0xffff, v0, v0;
	v15, _, _ =	vpop (xrf1)  }
0x2a2: {  	v0 =	vld [tilespmem:s18+$0x8420];
	(xrf1) =	vsort.ascd.msk.f32 $0xffff, v1, v1;
	v8 =	vsub.f32 $0.0e+00, v8;
	v16, _, _ =	vpop (xrf1)  }
0x2a3: {  	(xrf1) =	vsort.ascd.msk.f32 $0xffff, v11, v11;
	v11, _, _ =	vpop (xrf1)  }
0x2a4: {  	(xrf1) =	vsort.ascd.msk.f32 $0xffff, v5, v5;
	v5, _, _ =	vpop (xrf1)  }
0x2a5: {  	v13 =	vsub.f32 $0.0e+00, v13;
	v9 =	vsub.f32 $0.0e+00, v9;
	(xrf1) =	vsort.ascd.msk.f32 $0xffff, v6, v6;
	v1, _, _ =	vpop (xrf1)  }
0x2a6: {  	v14 =	vsub.f32 $0.0e+00, v14;
	v16 =	vsub.f32 $0.0e+00, v16;
	v6 =	vld [tilespmem:s18+$0x8040];
	(xrf1) =	vsort.ascd.msk.f32 $0xffff, v8, v8;
	v8, _, _ =	vpop (xrf1)  }
0x2a7: {  	v4 =	vsub.f32 $0.0e+00, v4;
	(xrf1) =	vsort.ascd.msk.f32 $0xffff, v0, v0;
	v17, _, _ =	vpop (xrf1)  }
0x2a8: {  	v57 =	vmin.f32 v7, v9;
	v19 =	vmin.f32 v2, v14;
	v11 =	vsub.f32 $0.0e+00, v11;
	(xrf1) =	vsort.ascd.msk.f32 $0xffff, v13, v13;
	v58, _, _ =	vpop (xrf1)  }
0x2a9: {  	v18 =	vld [tilespmem:s18+$0x8060];
	v59 =	vmin.f32 v57, v19;
	v13 =	vmax.f32 v15, v16;
	(xrf1) =	vsort.ascd.msk.f32 $0xffff, v4, v4;
	v0, _, _ =	vpop (xrf1)  }
0x2aa: {  	v4 =	vmin.f32 v15, v16;
	v15 =	vmin.f32 v8, v11;
	(xrf1) =	vsort.ascd.msk.f32 $0xffff, v59, v59;
	v16, _, _ =	vpop (xrf1)  }
0x2ab: {  	(xrf1) =	vsort.ascd.msk.f32 $0xffff, v6, v6;
	v6 =	vmin.f32 v4, v15;
	v4 =	vmax.f32 v4, v15;
	v15 =	vsub.f32 $0.0e+00, v16  }
0x2ac: {  	v8 =	vmax.f32 v8, v11;
	v11 =	vmax.f32 v57, v19;
	v19, _, _ =	vpop (xrf1)  }
0x2ad: {  	v7 =	vmax.f32 v7, v9;
	(xrf1) =	vsort.ascd.msk.f32 $0xffff, v11, v11;
	v16, _, _ =	vpop (xrf1);
	v9 =	vmax.f32 v58, v15  }
0x2ae: {  	v11 =	vmin.f32 v13, v8;
	(xrf1) =	vsort.ascd.msk.f32 $0xffff, v18, v18;
	v18, _, _ =	vpop (xrf1)  }
0x2af: {  	v2 =	vmax.f32 v2, v14;
	v17 =	vsub.f32 $0.0e+00, v17;
	(xrf1) =	vsort.ascd.msk.f32 $0xffff, v6, v6;
	v61, _, _ =	vpop (xrf1)  }
0x2b0: {  	v3 =	vsub.f32 $0.0e+00, v3;
	v14 =	vmin.f32 v7, v2;
	v6 =	vmin.f32 v58, v15;
	(xrf1) =	vsort.ascd.msk.f32 $0xffff, v9, v9;
	v9, _, _ =	vpop (xrf1)  }
0x2b1: {  	v2 =	vmax.f32 v7, v2;
	v60 =	vmax.f32 v5, v17;
	(xrf1) =	vsort.ascd.msk.f32 $0xffff, v11, v11;
	v11, _, _ =	vpop (xrf1);
	v9 =	vsub.f32 $0.0e+00, v9  }
0x2b2: {  	v5 =	vmin.f32 v5, v17;
	v8 =	vmax.f32 v13, v8;
	(xrf1) =	vsort.ascd.msk.f32 $0xffff, v14, v14;
	v15, _, _ =	vpop (xrf1)  }
0x2b3: {  	v13 =	vmin.f32 v12, v3;
	v3 =	vmax.f32 v12, v3;
	(xrf1) =	vsort.ascd.msk.f32 $0xffff, v6, v6;
	v6, _, _ =	vpop (xrf1)  }
0x2b4: {  	v12 =	vmax.f32 v3, v60;
	v63 =	vmin.f32 v13, v5;
	v14 =	vsub.f32 $0.0e+00, v11;
	(xrf1) =	vsort.ascd.msk.f32 $0xffff, v4, v4;
	v62, _, _ =	vpop (xrf1)  }
0x2b5: {  	v17 =	vmax.f32 v10, v9;
	v4 =	vmin.f32 v10, v9;
	(xrf1) =	vsort.ascd.msk.f32 $0xffff, v2, v2;
	v9, _, _ =	vpop (xrf1)  }
0x2b6: {  	v10 =	vmax.f32 v13, v5;
	v2 =	vmin.f32 v61, v14;
	(xrf1) =	vsort.ascd.msk.f32 $0xffff, v8, v8;
	v7, _, _ =	vpop (xrf1)  }
0x2b7: {  	v13 =	vsub.f32 $0.0e+00, v19;
	v8 =	vmax.f32 v61, v14;
	v5 =	vmin.f32 v2, v4;
	(xrf1) =	vsort.ascd.msk.f32 $0xffff, v12, v12;
	v11, _, _ =	vpop (xrf1)  }
0x2b8: {  	v12 =	vmin.f32 v3, v60;
	v19 =	vmin.f32 v8, v17;
	(xrf1) =	vsort.ascd.msk.f32 $0xffff, v5, v5;
	v3 =	vsub.f32 $0.0e+00, v9;
	v14, _, _ =	vpop (xrf1)  }
0x2b9: {  	v9 =	vmax.f32 v2, v4;
	v2 =	vmax.f32 v8, v17;
	(xrf1) =	vsort.ascd.msk.f32 $0xffff, v19, v19;
	v17 =	vsub.f32 $0.0e+00, v14  }
0x2ba: {  	v5 =	vmax.f32 v62, v13;
	(xrf1) =	vsort.ascd.msk.f32 $0xffff, v2, v2;
	v4, _, _ =	vpop (xrf1)  }
0x2bb: {  	(xrf1) =	vsort.ascd.msk.f32 $0xffff, v5, v5;
	v14, _, _ =	vpop (xrf1)  }
0x2bc: {  	v19 =	vsub.f32 $0.0e+00, v15;
	v15 =	vsub.f32 $0.0e+00, v16;
	v2 =	vmin.f32 v62, v13;
	(xrf1) =	vsort.ascd.msk.f32 $0xffff, v9, v9;
	v13, _, _ =	vpop (xrf1)  }
0x2bd: {  	[tilespmem:s17+$0x8000] =	vst v4;
	v8 =	vmax.f32 v14, v3;
	v5 =	vmin.f32 v18, v17;
	v4 =	vmax.f32 v18, v17;
	v17, _, _ =	vpop (xrf1)  }
0x2be: {  	s21 =	simm.s32 $0x84000;
	s20 =	simm.s32 $0x104;
	(xrf1) =	vsort.ascd.msk.f32 $0xffff, v63, v63;
	[tilespmem:s17+$0x8010] =	vst v13;
	v9 =	vmin.f32 v17, v19;
	v16 =	vmax.f32 v17, v19;
	v13, _, _ =	vpop (xrf1)  }
.LBB2_9:
0x2bf: {  	s22 =	sshrl.u32 s21, $0x2;
	s20 =	sadd.s32 $0x4, s20;
	v14 =	vmin.f32 v14, v3;
	s19 =	sadd.s32 $0x8, s19;
	v3, _, _ =	vpop (xrf1);
	[tilespmem:s17+$0x8400] =	vst v13;
	(xrf1) =	vsort.ascd.msk.f32 $0xffff, v12, v12  }
0x2c0: {  	v13 =	vsub.f32 $0.0e+00, v16;
	s23 =	sand.u32 $0x380, s19;
	s22 =	sand.u32 $0x7800, s22;
	p0 =	slt.u32 s20, $0x1FC;
	v12 =	vmin.f32 v1, v15;
	v1 =	vmax.f32 v1, v15;
	(xrf1) =	vsort.ascd.msk.f32 $0xffff, v10, v10;
	v10, _, _ =	vpop (xrf1)  }
0x2c1: {  	v11 =	vsub.f32 $0.0e+00, v11;
	s22 =	sor.u32 s23, s22;
	v16 =	vsub.f32 $0.0e+00, v1;
	(xrf1) =	vsort.ascd.msk.f32 $0xffff, v14, v14;
	[tilespmem:s17+$0x8420] =	vst v10;
	v10, _, _ =	vpop (xrf1)  }
0x2c2: {  	v15 =	vsub.f32 $0.0e+00, v6;
	v12 =	vsub.f32 $0.0e+00, v12;
	v14 =	vld [tilespmem:s22+$0x8000];
	v6, _, _ =	vpop (xrf1);
	(xrf1) =	vsort.ascd.msk.f32 $0xffff, v13, v13;
	[tilespmem:s17+$0x8020] =	vst v10  }
0x2c3: {  	v13 =	vmin.f32 v7, v11;
	v7 =	vmax.f32 v7, v11;
	v10 =	vld [tilespmem:s22+$0x8020];
	(xrf1) =	vsort.ascd.msk.f32 $0xffff, v16, v16;
	v1, _, _ =	vpop (xrf1)  }
0x2c4: {  	v16 =	vmin.f32 v0, v15;
	v7 =	vsub.f32 $0.0e+00, v7;
	v11 =	vld [tilespmem:s22+$0x8400];
	(xrf1) =	vsort.ascd.msk.f32 $0xffff, v12, v12;
	[tilespmem:s17+$0x8410] =	vst v1;
	v1, _, _ =	vpop (xrf1)  }
0x2c5: {  	v13 =	vsub.f32 $0.0e+00, v13;
	v12 =	vld [tilespmem:s22+$0x8010];
	(xrf1) =	vsort.ascd.msk.f32 $0xffff, v16, v16;
	[tilespmem:s17+$0x8030] =	vst v1;
	v1, _, _ =	vpop (xrf1)  }
0x2c6: {  	v16 =	vld [tilespmem:s22+$0x8030];
	(xrf1) =	vsort.ascd.msk.f32 $0xffff, v7, v7;
	[tilespmem:s17+$0x8430] =	vst v1;
	v1, _, _ =	vpop (xrf1)  }
0x2c7: {  	v17 =	vld [tilespmem:s22+$0x8470];
	(xrf1) =	vsort.ascd.msk.f32 $0xffff, v13, v13;
	[tilespmem:s17+$0x8070] =	vst v1;
	v1, _, _ =	vpop (xrf1)  }
0x2c8: {  	v13 =	vld [tilespmem:s22+$0x8450];
	(xrf1) =	vsort.ascd.msk.f32 $0xffff, v8, v8;
	v7, _, _ =	vpop (xrf1)  }
0x2c9: {  	v9 =	vsub.f32 $0.0e+00, v9;
	v0 =	vmax.f32 v0, v15;
	v8 =	vld [tilespmem:s22+$0x8430];
	(xrf1) =	vsort.ascd.msk.f32 $0xffff, v10, v10;
	[tilespmem:s17+$0x8460] =	vst v7;
	v10, _, _ =	vpop (xrf1)  }
0x2ca: {  	v15 =	vld [tilespmem:s22+$0x8050];
	(xrf1) =	vsort.ascd.msk.f32 $0xffff, v0, v0;
	v7, _, _ =	vpop (xrf1);
	[tilespmem:s17+$0x8470] =	vst v10  }
0x2cb: {  	v0 =	vld [tilespmem:s22+$0x8460];
	(xrf1) =	vsort.ascd.msk.f32 $0xffff, v9, v9;
	[tilespmem:s17+$0x8440] =	vst v1;
	v1, _, _ =	vpop (xrf1)  }
0x2cc: {  	v18 =	vsub.f32 $0.0e+00, v12;
	v10 =	vld [tilespmem:s22+$0x8040];
	(xrf1) =	vsort.ascd.msk.f32 $0xffff, v14, v14;
	[tilespmem:s17+$0x8450] =	vst v1;
	v1, _, _ =	vpop (xrf1)  }
0x2cd: {  	v12 =	vld [tilespmem:s22+$0x8410];
	v13 =	vsub.f32 $0.0e+00, v13;
	(xrf1) =	vsort.ascd.msk.f32 $0xffff, v11, v11;
	[tilespmem:s17+$0x8040] =	vst v1;
	v1, _, _ =	vpop (xrf1)  }
0x2ce: {  	v11 =	vsub.f32 $0.0e+00, v16;
	v14 =	vld [tilespmem:s22+$0x8070];
	(xrf1) =	vsort.ascd.msk.f32 $0xffff, v18, v18;
	[tilespmem:s17+$0x8060] =	vst v1;
	v1, _, _ =	vpop (xrf1)  }
0x2cf: {  	v4 =	vsub.f32 $0.0e+00, v4;
	v5 =	vsub.f32 $0.0e+00, v5;
	(xrf1) =	vsort.ascd.msk.f32 $0xffff, v13, v13;
	v9, _, _ =	vpop (xrf1);
	[tilespmem:s17+$0x8050] =	vst v1;
	s17 =	smov.u32 s18;
	s18 =	smov.u32 s22  }
0x2d0: {  	v16 =	vsub.f32 $0.0e+00, v17;
	v13 =	vsub.f32 $0.0e+00, v15;
	v15 =	vld [tilespmem:s18+$0x8420];
	(xrf1) =	vsort.ascd.msk.f32 $0xffff, v11, v11;
	v1, _, _ =	vpop (xrf1)  }
0x2d1: {  	v8 =	vsub.f32 $0.0e+00, v8;
	v11 =	vld [tilespmem:s18+$0x8440];
	(xrf1) =	vsort.ascd.msk.f32 $0xffff, v0, v0;
	v17 =	vsub.f32 $0.0e+00, v1;
	v0, _, _ =	vpop (xrf1)  }
0x2d2: {  	v18 =	vld [tilespmem:s18+$0x8060];
	v1 =	vsub.f32 $0.0e+00, v12;
	v12 =	vsub.f32 $0.0e+00, v0;
	v0, _, _ =	vpop (xrf1);
	(xrf1) =	vsort.ascd.msk.f32 $0xffff, v2, v2  }
0x2d3: {  	v2 =	vsub.f32 $0.0e+00, v14;
	v14 =	vsub.f32 $0.0e+00, v0;
	v0, _, _ =	vpop (xrf1);
	(xrf1) =	vsort.ascd.msk.f32 $0xffff, v5, v5  }
0x2d4: {  	v5, _, _ =	vpop (xrf1);
	(xrf1) =	vsort.ascd.msk.f32 $0xffff, v4, v4  }
0x2d5: {  	(xrf1) =	vsort.ascd.msk.f32 $0xffff, v2, v2;
	v2 =	vmin.f32 v3, v14;
	v4 =	vsub.f32 $0.0e+00, v5;
	v5, _, _ =	vpop (xrf1)  }
0x2d6: {  	(xrf1) =	vsort.ascd.msk.f32 $0xffff, v1, v1;
	v19, _, _ =	vpop (xrf1)  }
0x2d7: {  	v5 =	vsub.f32 $0.0e+00, v5;
	v1, _, _ =	vpop (xrf1);
	(xrf1) =	vsort.ascd.msk.f32 $0xffff, v11, v11;
	v11 =	vmin.f32 v6, v12;
	v20 =	vmax.f32 v0, v4  }
0x2d8: {  	(xrf1) =	vsort.ascd.msk.f32 $0xffff, v13, v13;
	v13 =	vmin.f32 v11, v2;
	v21, _, _ =	vpop (xrf1)  }
0x2d9: {  	v4 =	vmin.f32 v0, v4;
	(xrf1) =	vsort.ascd.msk.f32 $0xffff, v15, v15;
	v15 =	vmin.f32 v21, v5;
	v0, _, _ =	vpop (xrf1)  }
0x2da: {  	v5 =	vmax.f32 v21, v5;
	v22, _, _ =	vpop (xrf1);
	(xrf1) =	vsort.ascd.msk.f32 $0xffff, v8, v8;
	v8 =	vsub.f32 $0.0e+00, v0;
	v21 =	vmin.f32 v4, v15  }
0x2db: {  	v4 =	vmax.f32 v4, v15;
	v15 =	vmin.f32 v20, v5;
	v0, _, _ =	vpop (xrf1);
	(xrf1) =	vsort.ascd.msk.f32 $0xffff, v16, v16  }
0x2dc: {  	v2 =	vmax.f32 v11, v2;
	v16, _, _ =	vpop (xrf1);
	v11 =	vmax.f32 v19, v8;
	(xrf1) =	vsort.ascd.msk.f32 $0xffff, v13, v13  }
0x2dd: {  	v13 =	vsub.f32 $0.0e+00, v16;
	(xrf1) =	vsort.ascd.msk.f32 $0xffff, v10, v10;
	v10, _, _ =	vpop (xrf1)  }
0x2de: {  	v3 =	vmax.f32 v3, v14;
	v6 =	vmax.f32 v6, v12;
	v16, _, _ =	vpop (xrf1);
	(xrf1) =	vsort.ascd.msk.f32 $0xffff, v2, v2  }
0x2df: {  	v12 =	vmin.f32 v6, v3;
	v2 =	vmin.f32 v22, v13;
	(xrf1) =	vsort.ascd.msk.f32 $0xffff, v18, v18;
	v18, _, _ =	vpop (xrf1)  }
0x2e0: {  	v22 =	vmax.f32 v22, v13;
	(xrf1) =	vsort.ascd.msk.f32 $0xffff, v21, v21;
	v14, _, _ =	vpop (xrf1)  }
0x2e1: {  	v5 =	vmax.f32 v20, v5;
	(xrf1) =	vsort.ascd.msk.f32 $0xffff, v22, v22;
	v13, _, _ =	vpop (xrf1)  }
0x2e2: {  	v20 =	vmin.f32 v9, v17;
	v9 =	vmax.f32 v9, v17;
	v13 =	vsub.f32 $0.0e+00, v13;
	(xrf1) =	vsort.ascd.msk.f32 $0xffff, v15, v15;
	v15, _, _ =	vpop (xrf1)  }
0x2e3: {  	v3 =	vmax.f32 v6, v3;
	v21 =	vmax.f32 v9, v11;
	v17, _, _ =	vpop (xrf1);
	v15 =	vsub.f32 $0.0e+00, v15;
	(xrf1) =	vsort.ascd.msk.f32 $0xffff, v12, v12  }
0x2e4: {  	(xrf1) =	vsort.ascd.msk.f32 $0xffff, v2, v2;
	v6, _, _ =	vpop (xrf1);
	v2 =	vmin.f32 v19, v8;
	v8 =	vmax.f32 v7, v13  }
0x2e5: {  	v13 =	vmin.f32 v7, v13;
	v19, _, _ =	vpop (xrf1);
	v22 =	vmin.f32 v20, v2;
	(xrf1) =	vsort.ascd.msk.f32 $0xffff, v4, v4  }
0x2e6: {  	v4 =	vsub.f32 $0.0e+00, v10;
	v10 =	vmax.f32 v20, v2;
	v2 =	vmin.f32 v14, v15;
	v23, _, _ =	vpop (xrf1);
	(xrf1) =	vsort.ascd.msk.f32 $0xffff, v3, v3  }
0x2e7: {  	v12 =	vmin.f32 v9, v11;
	v9 =	vmin.f32 v2, v13;
	v7, _, _ =	vpop (xrf1);
	(xrf1) =	vsort.ascd.msk.f32 $0xffff, v5, v5  }
0x2e8: {  	v13 =	vmax.f32 v2, v13;
	v3 =	vsub.f32 $0.0e+00, v23;
	v5 =	vmax.f32 v14, v15;
	v11, _, _ =	vpop (xrf1);
	(xrf1) =	vsort.ascd.msk.f32 $0xffff, v21, v21  }
0x2e9: {  	v20 =	vmin.f32 v5, v8;
	v5 =	vmax.f32 v5, v8;
	v2, _, _ =	vpop (xrf1);
	(xrf1) =	vsort.ascd.msk.f32 $0xffff, v9, v9  }
.Ltmp3:
0x2ea: {  	v21 =	vmax.f32 v19, v4;
	v9 =	vsub.f32 $0.0e+00, v2;
	v2, _, _ =	vpop (xrf1);
	(xrf1) =	vsort.ascd.msk.f32 $0xffff, v20, v20;
	(pc) =	sbr.rel @p0 .LBB2_9-.Ltmp3, $4  }
0x2eb: {  	v17 =	vsub.f32 $0.0e+00, v17;
	v14, _, _ =	vpop (xrf1);
	[tilespmem:s17+$0x8000] =	vst v2;
	(xrf1) =	vsort.ascd.msk.f32 $0xffff, v5, v5  }
0x2ec: {  	v2 =	vmin.f32 v19, v4;
	v8 =	vmax.f32 v14, v3;
	(xrf1) =	vsort.ascd.msk.f32 $0xffff, v21, v21;
	v15, _, _ =	vpop (xrf1)  }
0x2ed: {  	v5 =	vmin.f32 v18, v9;
	v4 =	vmax.f32 v18, v9;
	v18, _, _ =	vpop (xrf1);
	[tilespmem:s17+$0x8010] =	vst v15;
	(xrf1) =	vsort.ascd.msk.f32 $0xffff, v13, v13  }
0x2ee: {  	s21 =	sadd.s32 $0x2000, s21;
	v15 =	vsub.f32 $0.0e+00, v16;
	v9 =	vmin.f32 v18, v17;
	v16 =	vmax.f32 v18, v17;
	(xrf1) =	vsort.ascd.msk.f32 $0xffff, v22, v22;
	v13, _, _ =	vpop (xrf1)  }
0x2ef: {  	v17, _, _ =	vpop (xrf1);
	(xrf1) =	vsort.ascd.msk.f32 $0xffff, v12, v12  }
0x2f0: {  	v3 =	vmin.f32 v14, v3;
	v34 =	vsub.f32 $0.0e+00, v16;
	v33 =	vmax.f32 v1, v15;
	(xrf1) =	vsort.ascd.msk.f32 $0xffff, v10, v10;
	v35, _, _ =	vpop (xrf1)  }
0x2f1: {  	v11 =	vsub.f32 $0.0e+00, v11;
	v36 =	vmin.f32 v1, v15;
	v12 =	vsub.f32 $0.0e+00, v33;
	(xrf1) =	vsort.ascd.msk.f32 $0xffff, v3, v3;
	v37, _, _ =	vpop (xrf1)  }
0x2f2: {  	v6 =	vsub.f32 $0.0e+00, v6;
	v1 =	vsub.f32 $0.0e+00, v36;
	v38, _, _ =	vpop (xrf1);
	(xrf1) =	vsort.ascd.msk.f32 $0xffff, v34, v34  }
0x2f3: {  	v39 =	vmax.f32 v7, v11;
	(xrf1) =	vsort.ascd.msk.f32 $0xffff, v12, v12;
	v40, _, _ =	vpop (xrf1)  }
0x2f4: {  	v41 =	vmin.f32 v7, v11;
	v42 =	vmin.f32 v0, v6;
	v14 =	vsub.f32 $0.0e+00, v39;
	(xrf1) =	vsort.ascd.msk.f32 $0xffff, v1, v1;
	v43, _, _ =	vpop (xrf1)  }
0x2f5: {  	v7 =	vsub.f32 $0.0e+00, v41;
	(xrf1) =	vsort.ascd.msk.f32 $0xffff, v42, v42;
	v44, _, _ =	vpop (xrf1)  }
0x2f6: {  	(xrf1) =	vsort.ascd.msk.f32 $0xffff, v14, v14;
	v45, _, _ =	vpop (xrf1)  }
0x2f7: {  	(xrf1) =	vsort.ascd.msk.f32 $0xffff, v7, v7;
	v46, _, _ =	vpop (xrf1)  }
0x2f8: {  	v48 =	vmax.f32 v0, v6;
	(xrf1) =	vsort.ascd.msk.f32 $0xffff, v8, v8;
	v47, _, _ =	vpop (xrf1)  }
0x2f9: {  	v50, _, _ =	vpop (xrf1);
	(xrf1) =	vsort.ascd.msk.f32 $0xffff, v48, v48  }
0x2fa: {  	v49 =	vsub.f32 $0.0e+00, v9;
	v51, _, _ =	vpop (xrf1)  }
0x2fb: {  	v52, _, _ =	vpop (xrf1)  }
0x2fc: {  	v5 =	vsub.f32 $0.0e+00, v5;
	(xrf1) =	vsort.ascd.msk.f32 $0xffff, v49, v49;
	v53, _, _ =	vpop (xrf1)  }
0x2fd: {  	v4 =	vsub.f32 $0.0e+00, v4;
	(xrf1) =	vsort.ascd.msk.f32 $0xffff, v2, v2;
	v54, _, _ =	vpop (xrf1)  }
0x2fe: {  	(xrf1) =	vsort.ascd.msk.f32 $0xffff, v5, v5;
	v55, _, _ =	vpop (xrf1)  }
0x2ff: {  	(xrf1) =	vsort.ascd.msk.f32 $0xffff, v4, v4;
	v18, _, _ =	vpop (xrf1)  }
0x300: {  	v56, _, _ =	vpop (xrf1)  }
0x301: {  	v19, _, _ =	vpop (xrf1)  }
0x302: {  	v20, _, _ =	vpop (xrf1)  }
0x303: {  	v21, _, _ =	vpop (xrf1)  }
0x304: {  	v19 =	vsub.f32 $0.0e+00, v19;
	v20 =	vsub.f32 $0.0e+00, v20;
	v22, _, _ =	vpop (xrf1)  }
0x305: {  	v22 =	vsub.f32 $0.0e+00, v22;
	v23, _, _ =	vpop (xrf1)  }
0x306: {  	v26 =	vmin.f32 v38, v19;
	v24 =	vmin.f32 v17, v20;
	v25, _, _ =	vpop (xrf1);
	v23 =	vsub.f32 $0.0e+00, v23  }
0x307: {  	[tilespmem:s17+$0x8400] =	vst v13;
	v59 =	vmin.f32 v26, v24;
	v60 =	vmax.f32 v26, v24;
	v27 =	vmax.f32 v21, v22;
	v57, _, _ =	vpop (xrf1)  }
0x308: {  	[tilespmem:s17+$0x8420] =	vst v35;
	v21 =	vmin.f32 v21, v22;
	(xrf1) =	vsort.ascd.msk.f32 $0xffff, v59, v59;
	v58 =	vmin.f32 v57, v23  }
0x309: {  	[tilespmem:s17+$0x8020] =	vst v37;
	(xrf1) =	vsort.ascd.msk.f32 $0xffff, v60, v60;
	v62 =	vmin.f32 v21, v58  }
0x30a: {  	[tilespmem:s17+$0x8410] =	vst v40;
	v4 =	vsub.f32 $0.0e+00, v56;
	v22 =	vmax.f32 v57, v23;
	v61, _, _ =	vpop (xrf1);
	(xrf1) =	vsort.ascd.msk.f32 $0xffff, v62, v62  }
0x30b: {  	[tilespmem:s17+$0x8030] =	vst v43;
	v29 =	vmax.f32 v17, v20;
	v26 =	vmax.f32 v38, v19;
	v28, _, _ =	vpop (xrf1);
	v30 =	vmin.f32 v27, v22  }
0x30c: {  	v39 =	vmax.f32 v18, v4;
	v33 =	vmin.f32 v26, v29;
	v34 =	vsub.f32 $0.0e+00, v61;
	v31, _, _ =	vpop (xrf1);
	(xrf1) =	vsort.ascd.msk.f32 $0xffff, v30, v30  }
0x30d: {  	v12 =	vmax.f32 v26, v29;
	v63 =	vmax.f32 v21, v58;
	v17 =	vsub.f32 $0.0e+00, v31;
	v35, _, _ =	vpop (xrf1);
	(xrf1) =	vsort.ascd.msk.f32 $0xffff, v33, v33  }
0x30e: {  	v32 =	vmax.f32 v27, v22;
	v38 =	vmax.f32 v25, v34;
	(xrf1) =	vsort.ascd.msk.f32 $0xffff, v63, v63;
	v37 =	vsub.f32 $0.0e+00, v35  }
0x30f: {  	[tilespmem:s17+$0x8430] =	vst v44;
	v40 =	vmax.f32 v39, v38;
	v36 =	vmax.f32 v51, v17;
	(xrf1) =	vsort.ascd.msk.f32 $0xffff, v12, v12  }
0x310: {  	[tilespmem:s17+$0x8070] =	vst v45;
	v0 =	vmin.f32 v51, v17;
	(xrf1) =	vsort.ascd.msk.f32 $0xffff, v32, v32;
	v13 =	vmin.f32 v28, v37  }
0x311: {  	[tilespmem:s17+$0x8440] =	vst v46;
	v3 =	vmax.f32 v28, v37;
	(xrf1) =	vsort.ascd.msk.f32 $0xffff, v40, v40;
	v41 =	vmin.f32 v13, v0  }
0x312: {  	[tilespmem:s17+$0x8460] =	vst v47;
	v42 =	vmin.f32 v3, v36;
	(xrf1) =	vsort.ascd.msk.f32 $0xffff, v41, v41  }
0x313: {  	[tilespmem:s17+$0x8470] =	vst v50;
	v43 =	vmin.f32 v18, v4;
	v3 =	vmax.f32 v3, v36;
	(xrf1) =	vsort.ascd.msk.f32 $0xffff, v42, v42  }
0x314: {  	[tilespmem:s17+$0x8450] =	vst v52;
	v44 =	vmin.f32 v25, v34;
	v0 =	vmax.f32 v13, v0;
	(xrf1) =	vsort.ascd.msk.f32 $0xffff, v3, v3  }
0x315: {  	[tilespmem:s17+$0x8040] =	vst v53;
	v45 =	vmin.f32 v43, v44;
	(xrf1) =	vsort.ascd.msk.f32 $0xffff, v0, v0  }
0x316: {  	[tilespmem:s17+$0x8060] =	vst v54;
	v46 =	vmin.f32 v39, v38;
	v47, _, _ =	vpop (xrf1);
	(xrf1) =	vsort.ascd.msk.f32 $0xffff, v45, v45  }
0x317: {  	[tilespmem:s17+$0x8050] =	vst v55;
	v48 =	vmax.f32 v43, v44;
	v49, _, _ =	vpop (xrf1);
	(xrf1) =	vsort.ascd.msk.f32 $0xffff, v46, v46  }
0x318: {  	[tilespmem:s18+$0x8000] =	vst v47;
	v50, _, _ =	vpop (xrf1);
	(xrf1) =	vsort.ascd.msk.f32 $0xffff, v48, v48  }
0x319: {  	[tilespmem:s18+$0x8010] =	vst v49  }
0x31a: {  	v51, _, _ =	vpop (xrf1);
	[tilespmem:s18+$0x8400] =	vst v50  }
0x31b: {  	v52, _, _ =	vpop (xrf1);
	[tilespmem:s18+$0x8420] =	vst v51  }
0x31c: {  	v53, _, _ =	vpop (xrf1);
	[tilespmem:s18+$0x8020] =	vst v52  }
0x31d: {  	v54, _, _ =	vpop (xrf1);
	[tilespmem:s18+$0x8410] =	vst v53  }
0x31e: {  	v55, _, _ =	vpop (xrf1);
	[tilespmem:s18+$0x8030] =	vst v54  }
0x31f: {  	v56, _, _ =	vpop (xrf1);
	[tilespmem:s18+$0x8430] =	vst v55  }
0x320: {  	v57, _, _ =	vpop (xrf1);
	[tilespmem:s18+$0x8070] =	vst v56  }
0x321: {  	v58, _, _ =	vpop (xrf1);
	[tilespmem:s18+$0x8440] =	vst v57  }
0x322: {  	s15 =	sadd.s32 $0x1, s15;
	[tilespmem:s18+$0x8460] =	vst v58;
	v59, _, _ =	vpop (xrf1)  }
0x323: {  	p0 =	sne.s32 s15, $0x10;
	[tilespmem:s18+$0x8470] =	vst v59;
	v60, _, _ =	vpop (xrf1)  }
.Ltmp4:
0x324: {  	[tilespmem:s18+$0x8450] =	vst v60;
	v61, _, _ =	vpop (xrf1);
	(pc) =	sbr.rel @p0 .LBB2_2-.Ltmp4, $4  }
0x325: {  	[tilespmem:s18+$0x8040] =	vst v61;
	v62, _, _ =	vpop (xrf1)  }
0x326: {  	[tilespmem:s18+$0x8060] =	vst v62;
	v63, _, _ =	vpop (xrf1)  }
0x327: {  	s16 =	sadd.s32 s2, s16;
	[tilespmem:s18+$0x8050] =	vst v63  }
0x328: {  	[hbm4b:s16+s4] =	stream.linear.scatter [tilespmem:s10], [sflag:$0x4], $0x8000, $0x38;
	[tilespmem:$0x10000] =	vst v63  }
0x329: {  	s14 =	sadd.s32 $0x1, s14  }
0x32a: {  	p0 =	sne.s32 s14, s8  }
.Ltmp5:
0x32b: {  	_ = 	snop;
	(pc) =	sbr.rel @p0 .LBB2_1-.Ltmp5, $4  }
0x32c: {  	_ = 	snop  }
0x32d: {  	_ =	swait.ge [sflag:s13], $0x8000  }
0x32e: {  	[sflag:s13] =	ssyncset.done $0x0  }
0x32f: {  	[sflag:s13] =	ssyncadd.s32 $0xFFFF8000  }
0x330: {  	_ =	sfence.sel $0x180000  }
0x331: {  	[bflag:$0x0] =	sbarrier.arrive $0xFFFF  }
0x332: {  	p0 =	sne.s32 s3, $0x0;
	_ =	strace $0x90000047  }
0x333: {  	s0 =	sadd.s32 @!p0 $0x100000, s0;
	[bflag:$0x2] =	sbarrier.arrive $0xFFFF  }
0x334: {  	[sflag:s0] =	ssyncadd.tile.s32 @!p0 $0x1;
	_ =	shalt  }
.Lfunc_end2:
_tile_overlayer_lowered:
.L_overlay_start_2:
0x335: {  	(tag) =	ssettag $0x2  }
0x336: {  	s0 =	rddreg [dreg:$0x0];
	s2 =	stileid.u32  }
0x337: {  	s1 =	rddreg [dreg:$0x1];
	p0 =	sne.s32 s2, $0x0  }
0x338: {  	s3 =	rddreg [dreg:$0x2];
	[bflag:$0x3] =	sbarrier.arrive $0xFFFF;
	s2 =	simm.s32 @!p0 $0x1C05  }
0x339: {  	[timem:s3], [sflag:s2] =	dma.local @!p0 [hbm:s0], s1  }
0x33a: {  	s0 =	simm.s32 @!p0 $0x5  }
0x33b: {  	_ =	swait.ge @!p0 [sflag:s0], s1  }
0x33c: {  	s1 =	ssub.s32 @!p0 $0x0, s1;
	[sflag:s0] =	ssyncset.done @!p0 $0x0  }
0x33d: {  	[sflag:s0] =	ssyncadd.s32 @!p0 s1  }
0x33e: {  	[bflag:$0x3] =	sbarrier.arrive $0xFFFF  }
0x33f: {  	_ =	shalt  }

</sc_bundles>
